<compile_context>
chip_gen: v7x
topology: tpu7x:2x2x1
jax: 0.10.2.dev20260603
libtpu: 0.0.44.dev20260713+nightly
codegen_flags: <defaults>
</compile_context>

<pallas_src>
import functools

import jax
import jax.numpy as jnp
from jax import lax
from jax.experimental import pallas as pl
from jax.experimental.pallas import tpu as pltpu
from jax.experimental.pallas import tpu_sc as plsc

VOCAB = 1000
EMBED_DIM = 64
BATCH = 4096
HIST = 50

_NC = 2
_NS = 16
_NW = _NC * _NS

_BC = 128
_NCHUNK = BATCH // _BC
_DG = 8
_HN = 13
_NBUF = 4


@functools.partial(
    pl.kernel,
    mesh=plsc.VectorSubcoreMesh(core_axis_name="c", subcore_axis_name="s"),
    out_type=jax.ShapeDtypeStruct((HIST, _DG, _NCHUNK, 8, _BC), jnp.float32),
    scratch_types=[
    ] + [pltpu.VMEM((VOCAB,), jnp.float32)] * _DG + [
        pltpu.VMEM((_NCHUNK, _HN, _BC), jnp.int32),
        pltpu.VMEM((_NBUF, _HN, _DG, _BC), jnp.float32),
        pltpu.SemaphoreType.DMA,
        pltpu.SemaphoreType.DMA,
    ] + [pltpu.SemaphoreType.DMA] * _NBUF,
    compiler_params=pltpu.CompilerParams(
        use_tc_tiling_on_sc=False, needs_layout_passes=False
    ),
)
def _tgather_kernel(xtr_hbm, tflat_hbm, out_hbm, t0, t1, t2, t3, t4, t5,
                    t6, t7, idx_v, buf_v, isem, isem2, *wsems):
    tabs = (t0, t1, t2, t3, t4, t5, t6, t7)
    wid = lax.axis_index("s") * _NC + lax.axis_index("c")
    dg = lax.rem(wid, _DG)
    hq = wid // _DG
    d0 = pl.multiple_of(dg * 8, 8)
    h0 = hq * _HN - 2 * (hq // 3)

    for dd in range(_DG):
        pltpu.async_copy(
            tflat_hbm.at[pl.ds((d0 + dd) * VOCAB, VOCAB)], tabs[dd], isem
        )
    pltpu.async_copy(
        xtr_hbm.at[pl.ds(0, _NBUF), pl.ds(h0, _HN)],
        idx_v.at[pl.ds(0, _NBUF)],
        isem,
    )
    pltpu.async_copy(
        xtr_hbm.at[pl.ds(_NBUF, _NCHUNK - _NBUF), pl.ds(h0, _HN)],
        idx_v.at[pl.ds(_NBUF, _NCHUNK - _NBUF)],
        isem2,
    )
    for dd in range(_DG):
        pltpu.make_async_copy(
            tflat_hbm.at[pl.ds(0, VOCAB)], tabs[dd], isem
        ).wait()
    pltpu.make_async_copy(
        xtr_hbm.at[pl.ds(0, _NBUF), pl.ds(0, _HN)],
        idx_v.at[pl.ds(0, _NBUF)],
        isem,
    ).wait()

    def compute_chunk(j, p):
        @plsc.parallel_loop(0, _HN * (_BC // 16), step=1)
        def hb_body(t):
            hh = t // (_BC // 16)
            bl = t % (_BC // 16)
            iv = idx_v[j, hh, pl.ds(bl * 16, 16)]
            for dd in range(_DG):
                buf_v[p, hh, dd, pl.ds(bl * 16, 16)] = plsc.load_gather(
                    tabs[dd], [iv]
                )

    def body(g, carry):
        @pl.when(g == 1)
        def _():
            pltpu.make_async_copy(
                xtr_hbm.at[pl.ds(_NBUF, _NCHUNK - _NBUF), pl.ds(0, _HN)],
                idx_v.at[pl.ds(_NBUF, _NCHUNK - _NBUF)],
                isem2,
            ).wait()

        for p in range(_NBUF):
            j = _NBUF * g + p
            @pl.when(g > 0)
            def _():
                pltpu.make_async_copy(
                    buf_v.at[p],
                    out_hbm.at[pl.ds(0, _HN), 0, 0],
                    wsems[p],
                ).wait()

            compute_chunk(j, p)

            pltpu.async_copy(
                buf_v.at[p],
                out_hbm.at[pl.ds(h0, _HN), dg, j],
                wsems[p],
            )

        return carry

    lax.fori_loop(0, _NCHUNK // _NBUF, body, 0)

    for p in range(_NBUF):
        pltpu.make_async_copy(
            buf_v.at[p],
            out_hbm.at[pl.ds(0, _HN), 0, 0],
            wsems[p],
        ).wait()


def kernel(x, table):
    tflat = table.T.reshape(-1)
    xtr = jnp.pad(
        x.T.reshape(HIST, _NCHUNK, _BC).transpose(1, 0, 2),
        ((0, 0), (0, 6), (0, 0)),
    )
    t5 = _tgather_kernel(xtr, tflat)
    return t5.transpose(2, 4, 0, 1, 3).reshape(BATCH, HIST, EMBED_DIM)

# --- scband reference (transcript-rebuilt; emitter-appended) ---
"""Pipeline reference for scband-column-embedding-15547781612221 (READ-ONLY COPY).

The authoritative reference and input builder live on the scoring server;
editing this copy changes nothing except your own understanding.
"""

import jax, jax.numpy as jnp
import numpy as np

VOCAB = 1000
EMBED_DIM = 64
BATCH = 4096
HIST = 50


def setup_inputs(seed: int = 0) -> dict:
    key = jax.random.key(seed)
    k1, k2 = jax.random.split(key)
    x = jax.random.randint(k1, (BATCH, HIST), 0, VOCAB, dtype=jnp.int32)
    # nn.Embedding weight init: N(0, 1)
    table = jax.random.normal(k2, (VOCAB, EMBED_DIM), dtype=jnp.float32)
    return {"x": x, "table": table}


def reference(x, table):
    # ColumnEmbedding.forward(x, column) == self.embedding[column](x)
    # i.e. a plain embedding gather on the selected column's table.
    return jnp.take(table, x, axis=0)

if __name__ == "__main__":
    import jax
    _d = setup_inputs()
    print(jax.jit(kernel)(*tuple(_d.values())))

</pallas_src>

<mosaic_0001>
#map = affine_map<(d0, d1) -> (0, 0, 0)>
#map1 = affine_map<(d0, d1) -> (0)>
#map2 = affine_map<(d0, d1) -> (0, 0, 0, 0, 0)>
module attributes {stable_mosaic.version = 14 : i64} {
  func.func @_tgather_kernel(%arg0: i32, %arg1: i32, %arg2: memref<32x56x128xi32, #tpu.memory_space<hbm>>, %arg3: memref<64000xf32, #tpu.memory_space<hbm>>, %arg4: memref<50x8x32x8x128xf32, #tpu.memory_space<hbm>>, %arg5: memref<1000xf32, #tpu.memory_space<vmem>>, %arg6: memref<1000xf32, #tpu.memory_space<vmem>>, %arg7: memref<1000xf32, #tpu.memory_space<vmem>>, %arg8: memref<1000xf32, #tpu.memory_space<vmem>>, %arg9: memref<1000xf32, #tpu.memory_space<vmem>>, %arg10: memref<1000xf32, #tpu.memory_space<vmem>>, %arg11: memref<1000xf32, #tpu.memory_space<vmem>>, %arg12: memref<1000xf32, #tpu.memory_space<vmem>>, %arg13: memref<32x13x128xi32, #tpu.memory_space<vmem>>, %arg14: memref<4x13x8x128xf32, #tpu.memory_space<vmem>>, %arg15: memref<!tpu.dma_semaphore, #tpu.memory_space<semaphore_mem>>, %arg16: memref<!tpu.dma_semaphore, #tpu.memory_space<semaphore_mem>>, %arg17: memref<!tpu.dma_semaphore, #tpu.memory_space<semaphore_mem>>, %arg18: memref<!tpu.dma_semaphore, #tpu.memory_space<semaphore_mem>>, %arg19: memref<!tpu.dma_semaphore, #tpu.memory_space<semaphore_mem>>, %arg20: memref<!tpu.dma_semaphore, #tpu.memory_space<semaphore_mem>>) attributes {dimension_semantics = [#tpu.dimension_semantics<core_parallel>, #tpu.dimension_semantics<subcore_parallel>], iteration_bounds = array<i64: 2, 16>, scalar_prefetch = 0 : i64, scratch_operands = 16 : i64, tpu.core_type = #tpu.core_type<sc_vector_subcore>, window_params = [{transform_indices = #map}, {transform_indices = #map1}, {transform_indices = #map2}]} {
    %mul3A = arith.constant 2 : i32
    %mul3A_0 = arith.muli %arg1, %mul3A : i32
    %add3A = arith.addi %mul3A_0, %arg0 : i32
    %rem3A = arith.constant 8 : i32
    %rem3A_1 = arith.remsi %add3A, %rem3A : i32
    %jit3A = arith.constant 8 : i32
    %div3A = arith.divsi %add3A, %jit3A : i32
    %sign3A = arith.constant 0 : i32
    %sign3A_2 = arith.cmpi sgt, %add3A, %sign3A : i32
    %sign3A_3 = arith.extui %sign3A_2 : i1 to i32
    %sign3A_4 = arith.constant 0 : i32
    %sign3A_5 = arith.cmpi slt, %add3A, %sign3A_4 : i32
    %sign3A_6 = arith.extui %sign3A_5 : i1 to i32
    %sign3A_7 = arith.subi %sign3A_3, %sign3A_6 : i32
    %sign3A_8 = arith.constant 0 : i32
    %sign3A_9 = arith.cmpi sgt, %jit3A, %sign3A_8 : i32
    %sign3A_10 = arith.extui %sign3A_9 : i1 to i32
    %sign3A_11 = arith.constant 0 : i32
    %sign3A_12 = arith.cmpi slt, %jit3A, %sign3A_11 : i32
    %sign3A_13 = arith.extui %sign3A_12 : i1 to i32
    %sign3A_14 = arith.subi %sign3A_10, %sign3A_13 : i32
    %ne3A = arith.cmpi ne, %sign3A_7, %sign3A_14 : i32
    %rem3A_15 = arith.remsi %add3A, %jit3A : i32
    %ne3A_16 = arith.constant 0 : i32
    %ne3A_17 = arith.cmpi ne, %rem3A_15, %ne3A_16 : i32
    %and3A = arith.andi %ne3A, %ne3A_17 : i1
    %sub3A = arith.constant 1 : i32
    %sub3A_18 = arith.subi %div3A, %sub3A : i32
    %select_n3A = arith.select %and3A, %sub3A_18, %div3A : i32
    %mul3A_19 = arith.constant 8 : i32
    %mul3A_20 = arith.muli %rem3A_1, %mul3A_19 : i32
    %multiple_of3A = tpu.assume_multiple %mul3A_20, 8 : i32
    %mul3A_21 = arith.constant 13 : i32
    %mul3A_22 = arith.muli %select_n3A, %mul3A_21 : i32
    %jit3A_23 = arith.constant 3 : i32
    %div3A_24 = arith.divsi %select_n3A, %jit3A_23 : i32
    %sign3A_25 = arith.constant 0 : i32
    %sign3A_26 = arith.cmpi sgt, %select_n3A, %sign3A_25 : i32
    %sign3A_27 = arith.extui %sign3A_26 : i1 to i32
    %sign3A_28 = arith.constant 0 : i32
    %sign3A_29 = arith.cmpi slt, %select_n3A, %sign3A_28 : i32
    %sign3A_30 = arith.extui %sign3A_29 : i1 to i32
    %sign3A_31 = arith.subi %sign3A_27, %sign3A_30 : i32
    %sign3A_32 = arith.constant 0 : i32
    %sign3A_33 = arith.cmpi sgt, %jit3A_23, %sign3A_32 : i32
    %sign3A_34 = arith.extui %sign3A_33 : i1 to i32
    %sign3A_35 = arith.constant 0 : i32
    %sign3A_36 = arith.cmpi slt, %jit3A_23, %sign3A_35 : i32
    %sign3A_37 = arith.extui %sign3A_36 : i1 to i32
    %sign3A_38 = arith.subi %sign3A_34, %sign3A_37 : i32
    %ne3A_39 = arith.cmpi ne, %sign3A_31, %sign3A_38 : i32
    %rem3A_40 = arith.remsi %select_n3A, %jit3A_23 : i32
    %ne3A_41 = arith.constant 0 : i32
    %ne3A_42 = arith.cmpi ne, %rem3A_40, %ne3A_41 : i32
    %and3A_43 = arith.andi %ne3A_39, %ne3A_42 : i1
    %sub3A_44 = arith.constant 1 : i32
    %sub3A_45 = arith.subi %div3A_24, %sub3A_44 : i32
    %select_n3A_46 = arith.select %and3A_43, %sub3A_45, %div3A_24 : i32
    %mul3A_47 = arith.constant 2 : i32
    %mul3A_48 = arith.muli %mul3A_47, %select_n3A_46 : i32
    %sub3A_49 = arith.subi %mul3A_22, %mul3A_48 : i32
    %add3A_50 = arith.constant 0 : i32
    %add3A_51 = arith.addi %multiple_of3A, %add3A_50 : i32
    %mul3A_52 = arith.constant 1000 : i32
    %mul3A_53 = arith.muli %add3A_51, %mul3A_52 : i32
    %dma_start3A = tpu.memref_slice %arg3[%mul3A_53] : memref<64000xf32, #tpu.memory_space<hbm>> -> memref<1000xf32, #tpu.memory_space<hbm>>
    %dma_start3A_54 = tpu.memref_slice %arg3[%mul3A_53] : memref<64000xf32, #tpu.memory_space<hbm>> -> memref<1000xf32, #tpu.memory_space<hbm>>
    tpu.enqueue_dma source(%dma_start3A_54 : memref<1000xf32, #tpu.memory_space<hbm>>) target(%arg5 : memref<1000xf32, #tpu.memory_space<vmem>>) target_semaphore(%arg15 : memref<!tpu.dma_semaphore, #tpu.memory_space<semaphore_mem>>)
    %add3A_55 = arith.constant 1 : i32
    %add3A_56 = arith.addi %multiple_of3A, %add3A_55 : i32
    %mul3A_57 = arith.constant 1000 : i32
    %mul3A_58 = arith.muli %add3A_56, %mul3A_57 : i32
    %dma_start3A_59 = tpu.memref_slice %arg3[%mul3A_58] : memref<64000xf32, #tpu.memory_space<hbm>> -> memref<1000xf32, #tpu.memory_space<hbm>>
    %dma_start3A_60 = tpu.memref_slice %arg3[%mul3A_58] : memref<64000xf32, #tpu.memory_space<hbm>> -> memref<1000xf32, #tpu.memory_space<hbm>>
    tpu.enqueue_dma source(%dma_start3A_60 : memref<1000xf32, #tpu.memory_space<hbm>>) target(%arg6 : memref<1000xf32, #tpu.memory_space<vmem>>) target_semaphore(%arg15 : memref<!tpu.dma_semaphore, #tpu.memory_space<semaphore_mem>>)
    %add3A_61 = arith.constant 2 : i32
    %add3A_62 = arith.addi %multiple_of3A, %add3A_61 : i32
    %mul3A_63 = arith.constant 1000 : i32
    %mul3A_64 = arith.muli %add3A_62, %mul3A_63 : i32
    %dma_start3A_65 = tpu.memref_slice %arg3[%mul3A_64] : memref<64000xf32, #tpu.memory_space<hbm>> -> memref<1000xf32, #tpu.memory_space<hbm>>
    %dma_start3A_66 = tpu.memref_slice %arg3[%mul3A_64] : memref<64000xf32, #tpu.memory_space<hbm>> -> memref<1000xf32, #tpu.memory_space<hbm>>
    tpu.enqueue_dma source(%dma_start3A_66 : memref<1000xf32, #tpu.memory_space<hbm>>) target(%arg7 : memref<1000xf32, #tpu.memory_space<vmem>>) target_semaphore(%arg15 : memref<!tpu.dma_semaphore, #tpu.memory_space<semaphore_mem>>)
    %add3A_67 = arith.constant 3 : i32
    %add3A_68 = arith.addi %multiple_of3A, %add3A_67 : i32
    %mul3A_69 = arith.constant 1000 : i32
    %mul3A_70 = arith.muli %add3A_68, %mul3A_69 : i32
    %dma_start3A_71 = tpu.memref_slice %arg3[%mul3A_70] : memref<64000xf32, #tpu.memory_space<hbm>> -> memref<1000xf32, #tpu.memory_space<hbm>>
    %dma_start3A_72 = tpu.memref_slice %arg3[%mul3A_70] : memref<64000xf32, #tpu.memory_space<hbm>> -> memref<1000xf32, #tpu.memory_space<hbm>>
    tpu.enqueue_dma source(%dma_start3A_72 : memref<1000xf32, #tpu.memory_space<hbm>>) target(%arg8 : memref<1000xf32, #tpu.memory_space<vmem>>) target_semaphore(%arg15 : memref<!tpu.dma_semaphore, #tpu.memory_space<semaphore_mem>>)
    %add3A_73 = arith.constant 4 : i32
    %add3A_74 = arith.addi %multiple_of3A, %add3A_73 : i32
    %mul3A_75 = arith.constant 1000 : i32
    %mul3A_76 = arith.muli %add3A_74, %mul3A_75 : i32
    %dma_start3A_77 = tpu.memref_slice %arg3[%mul3A_76] : memref<64000xf32, #tpu.memory_space<hbm>> -> memref<1000xf32, #tpu.memory_space<hbm>>
    %dma_start3A_78 = tpu.memref_slice %arg3[%mul3A_76] : memref<64000xf32, #tpu.memory_space<hbm>> -> memref<1000xf32, #tpu.memory_space<hbm>>
    tpu.enqueue_dma source(%dma_start3A_78 : memref<1000xf32, #tpu.memory_space<hbm>>) target(%arg9 : memref<1000xf32, #tpu.memory_space<vmem>>) target_semaphore(%arg15 : memref<!tpu.dma_semaphore, #tpu.memory_space<semaphore_mem>>)
    %add3A_79 = arith.constant 5 : i32
    %add3A_80 = arith.addi %multiple_of3A, %add3A_79 : i32
    %mul3A_81 = arith.constant 1000 : i32
    %mul3A_82 = arith.muli %add3A_80, %mul3A_81 : i32
    %dma_start3A_83 = tpu.memref_slice %arg3[%mul3A_82] : memref<64000xf32, #tpu.memory_space<hbm>> -> memref<1000xf32, #tpu.memory_space<hbm>>
    %dma_start3A_84 = tpu.memref_slice %arg3[%mul3A_82] : memref<64000xf32, #tpu.memory_space<hbm>> -> memref<1000xf32, #tpu.memory_space<hbm>>
    tpu.enqueue_dma source(%dma_start3A_84 : memref<1000xf32, #tpu.memory_space<hbm>>) target(%arg10 : memref<1000xf32, #tpu.memory_space<vmem>>) target_semaphore(%arg15 : memref<!tpu.dma_semaphore, #tpu.memory_space<semaphore_mem>>)
    %add3A_85 = arith.constant 6 : i32
    %add3A_86 = arith.addi %multiple_of3A, %add3A_85 : i32
    %mul3A_87 = arith.constant 1000 : i32
    %mul3A_88 = arith.muli %add3A_86, %mul3A_87 : i32
    %dma_start3A_89 = tpu.memref_slice %arg3[%mul3A_88] : memref<64000xf32, #tpu.memory_space<hbm>> -> memref<1000xf32, #tpu.memory_space<hbm>>
    %dma_start3A_90 = tpu.memref_slice %arg3[%mul3A_88] : memref<64000xf32, #tpu.memory_space<hbm>> -> memref<1000xf32, #tpu.memory_space<hbm>>
    tpu.enqueue_dma source(%dma_start3A_90 : memref<1000xf32, #tpu.memory_space<hbm>>) target(%arg11 : memref<1000xf32, #tpu.memory_space<vmem>>) target_semaphore(%arg15 : memref<!tpu.dma_semaphore, #tpu.memory_space<semaphore_mem>>)
    %add3A_91 = arith.constant 7 : i32
    %add3A_92 = arith.addi %multiple_of3A, %add3A_91 : i32
    %mul3A_93 = arith.constant 1000 : i32
    %mul3A_94 = arith.muli %add3A_92, %mul3A_93 : i32
    %dma_start3A_95 = tpu.memref_slice %arg3[%mul3A_94] : memref<64000xf32, #tpu.memory_space<hbm>> -> memref<1000xf32, #tpu.memory_space<hbm>>
    %dma_start3A_96 = tpu.memref_slice %arg3[%mul3A_94] : memref<64000xf32, #tpu.memory_space<hbm>> -> memref<1000xf32, #tpu.memory_space<hbm>>
    tpu.enqueue_dma source(%dma_start3A_96 : memref<1000xf32, #tpu.memory_space<hbm>>) target(%arg12 : memref<1000xf32, #tpu.memory_space<vmem>>) target_semaphore(%arg15 : memref<!tpu.dma_semaphore, #tpu.memory_space<semaphore_mem>>)
    %dma_start3A_97 = arith.constant 0 : i32
    %dma_start3A_98 = arith.constant 0 : i32
    %dma_start3A_99 = arith.constant 0 : i32
    %dma_start3A_100 = tpu.memref_slice %arg13[%dma_start3A_97, %dma_start3A_98, %dma_start3A_99] : memref<32x13x128xi32, #tpu.memory_space<vmem>> -> memref<4x13x128xi32, #tpu.memory_space<vmem>>
    %dma_start3A_101 = arith.constant 0 : i32
    %dma_start3A_102 = arith.constant 0 : i32
    %dma_start3A_103 = tpu.memref_slice %arg2[%dma_start3A_101, %sub3A_49, %dma_start3A_102] : memref<32x56x128xi32, #tpu.memory_space<hbm>> -> memref<4x13x128xi32, #tpu.memory_space<hbm>>
    %dma_start3A_104 = arith.constant 0 : i32
    %dma_start3A_105 = arith.constant 0 : i32
    %dma_start3A_106 = arith.constant 0 : i32
    %dma_start3A_107 = tpu.memref_slice %arg13[%dma_start3A_104, %dma_start3A_105, %dma_start3A_106] : memref<32x13x128xi32, #tpu.memory_space<vmem>> -> memref<4x13x128xi32, #tpu.memory_space<vmem>>
    %dma_start3A_108 = arith.constant 0 : i32
    %dma_start3A_109 = arith.constant 0 : i32
    %dma_start3A_110 = tpu.memref_slice %arg2[%dma_start3A_108, %sub3A_49, %dma_start3A_109] : memref<32x56x128xi32, #tpu.memory_space<hbm>> -> memref<4x13x128xi32, #tpu.memory_space<hbm>>
    tpu.enqueue_dma source(%dma_start3A_110 : memref<4x13x128xi32, #tpu.memory_space<hbm>>) target(%dma_start3A_107 : memref<4x13x128xi32, #tpu.memory_space<vmem>>) target_semaphore(%arg15 : memref<!tpu.dma_semaphore, #tpu.memory_space<semaphore_mem>>)
    %dma_start3A_111 = arith.constant 4 : i32
    %dma_start3A_112 = arith.constant 0 : i32
    %dma_start3A_113 = arith.constant 0 : i32
    %dma_start3A_114 = tpu.memref_slice %arg13[%dma_start3A_111, %dma_start3A_112, %dma_start3A_113] : memref<32x13x128xi32, #tpu.memory_space<vmem>> -> memref<28x13x128xi32, #tpu.memory_space<vmem>>
    %dma_start3A_115 = arith.constant 4 : i32
    %dma_start3A_116 = arith.constant 0 : i32
    %dma_start3A_117 = tpu.memref_slice %arg2[%dma_start3A_115, %sub3A_49, %dma_start3A_116] : memref<32x56x128xi32, #tpu.memory_space<hbm>> -> memref<28x13x128xi32, #tpu.memory_space<hbm>>
    %dma_start3A_118 = arith.constant 4 : i32
    %dma_start3A_119 = arith.constant 0 : i32
    %dma_start3A_120 = arith.constant 0 : i32
    %dma_start3A_121 = tpu.memref_slice %arg13[%dma_start3A_118, %dma_start3A_119, %dma_start3A_120] : memref<32x13x128xi32, #tpu.memory_space<vmem>> -> memref<28x13x128xi32, #tpu.memory_space<vmem>>
    %dma_start3A_122 = arith.constant 4 : i32
    %dma_start3A_123 = arith.constant 0 : i32
    %dma_start3A_124 = tpu.memref_slice %arg2[%dma_start3A_122, %sub3A_49, %dma_start3A_123] : memref<32x56x128xi32, #tpu.memory_space<hbm>> -> memref<28x13x128xi32, #tpu.memory_space<hbm>>
    tpu.enqueue_dma source(%dma_start3A_124 : memref<28x13x128xi32, #tpu.memory_space<hbm>>) target(%dma_start3A_121 : memref<28x13x128xi32, #tpu.memory_space<vmem>>) target_semaphore(%arg16 : memref<!tpu.dma_semaphore, #tpu.memory_space<semaphore_mem>>)
    %dma_wait3A = arith.constant 0 : i32
    %dma_wait3A_125 = tpu.memref_slice %arg3[%dma_wait3A] : memref<64000xf32, #tpu.memory_space<hbm>> -> memref<1000xf32, #tpu.memory_space<hbm>>
    %dma_wait3A_126 = arith.constant 0 : i32
    %dma_wait3A_127 = tpu.memref_slice %arg3[%dma_wait3A_126] : memref<64000xf32, #tpu.memory_space<hbm>> -> memref<1000xf32, #tpu.memory_space<hbm>>
    tpu.wait_dma2 semaphore(%arg15 : memref<!tpu.dma_semaphore, #tpu.memory_space<semaphore_mem>>) src(%dma_wait3A_127 : memref<1000xf32, #tpu.memory_space<hbm>>) dst(%arg5 : memref<1000xf32, #tpu.memory_space<vmem>>)
    %dma_wait3A_128 = arith.constant 0 : i32
    %dma_wait3A_129 = tpu.memref_slice %arg3[%dma_wait3A_128] : memref<64000xf32, #tpu.memory_space<hbm>> -> memref<1000xf32, #tpu.memory_space<hbm>>
    %dma_wait3A_130 = arith.constant 0 : i32
    %dma_wait3A_131 = tpu.memref_slice %arg3[%dma_wait3A_130] : memref<64000xf32, #tpu.memory_space<hbm>> -> memref<1000xf32, #tpu.memory_space<hbm>>
    tpu.wait_dma2 semaphore(%arg15 : memref<!tpu.dma_semaphore, #tpu.memory_space<semaphore_mem>>) src(%dma_wait3A_131 : memref<1000xf32, #tpu.memory_space<hbm>>) dst(%arg6 : memref<1000xf32, #tpu.memory_space<vmem>>)
    %dma_wait3A_132 = arith.constant 0 : i32
    %dma_wait3A_133 = tpu.memref_slice %arg3[%dma_wait3A_132] : memref<64000xf32, #tpu.memory_space<hbm>> -> memref<1000xf32, #tpu.memory_space<hbm>>
    %dma_wait3A_134 = arith.constant 0 : i32
    %dma_wait3A_135 = tpu.memref_slice %arg3[%dma_wait3A_134] : memref<64000xf32, #tpu.memory_space<hbm>> -> memref<1000xf32, #tpu.memory_space<hbm>>
    tpu.wait_dma2 semaphore(%arg15 : memref<!tpu.dma_semaphore, #tpu.memory_space<semaphore_mem>>) src(%dma_wait3A_135 : memref<1000xf32, #tpu.memory_space<hbm>>) dst(%arg7 : memref<1000xf32, #tpu.memory_space<vmem>>)
    %dma_wait3A_136 = arith.constant 0 : i32
    %dma_wait3A_137 = tpu.memref_slice %arg3[%dma_wait3A_136] : memref<64000xf32, #tpu.memory_space<hbm>> -> memref<1000xf32, #tpu.memory_space<hbm>>
    %dma_wait3A_138 = arith.constant 0 : i32
    %dma_wait3A_139 = tpu.memref_slice %arg3[%dma_wait3A_138] : memref<64000xf32, #tpu.memory_space<hbm>> -> memref<1000xf32, #tpu.memory_space<hbm>>
    tpu.wait_dma2 semaphore(%arg15 : memref<!tpu.dma_semaphore, #tpu.memory_space<semaphore_mem>>) src(%dma_wait3A_139 : memref<1000xf32, #tpu.memory_space<hbm>>) dst(%arg8 : memref<1000xf32, #tpu.memory_space<vmem>>)
    %dma_wait3A_140 = arith.constant 0 : i32
    %dma_wait3A_141 = tpu.memref_slice %arg3[%dma_wait3A_140] : memref<64000xf32, #tpu.memory_space<hbm>> -> memref<1000xf32, #tpu.memory_space<hbm>>
    %dma_wait3A_142 = arith.constant 0 : i32
    %dma_wait3A_143 = tpu.memref_slice %arg3[%dma_wait3A_142] : memref<64000xf32, #tpu.memory_space<hbm>> -> memref<1000xf32, #tpu.memory_space<hbm>>
    tpu.wait_dma2 semaphore(%arg15 : memref<!tpu.dma_semaphore, #tpu.memory_space<semaphore_mem>>) src(%dma_wait3A_143 : memref<1000xf32, #tpu.memory_space<hbm>>) dst(%arg9 : memref<1000xf32, #tpu.memory_space<vmem>>)
    %dma_wait3A_144 = arith.constant 0 : i32
    %dma_wait3A_145 = tpu.memref_slice %arg3[%dma_wait3A_144] : memref<64000xf32, #tpu.memory_space<hbm>> -> memref<1000xf32, #tpu.memory_space<hbm>>
    %dma_wait3A_146 = arith.constant 0 : i32
    %dma_wait3A_147 = tpu.memref_slice %arg3[%dma_wait3A_146] : memref<64000xf32, #tpu.memory_space<hbm>> -> memref<1000xf32, #tpu.memory_space<hbm>>
    tpu.wait_dma2 semaphore(%arg15 : memref<!tpu.dma_semaphore, #tpu.memory_space<semaphore_mem>>) src(%dma_wait3A_147 : memref<1000xf32, #tpu.memory_space<hbm>>) dst(%arg10 : memref<1000xf32, #tpu.memory_space<vmem>>)
    %dma_wait3A_148 = arith.constant 0 : i32
    %dma_wait3A_149 = tpu.memref_slice %arg3[%dma_wait3A_148] : memref<64000xf32, #tpu.memory_space<hbm>> -> memref<1000xf32, #tpu.memory_space<hbm>>
    %dma_wait3A_150 = arith.constant 0 : i32
    %dma_wait3A_151 = tpu.memref_slice %arg3[%dma_wait3A_150] : memref<64000xf32, #tpu.memory_space<hbm>> -> memref<1000xf32, #tpu.memory_space<hbm>>
    tpu.wait_dma2 semaphore(%arg15 : memref<!tpu.dma_semaphore, #tpu.memory_space<semaphore_mem>>) src(%dma_wait3A_151 : memref<1000xf32, #tpu.memory_space<hbm>>) dst(%arg11 : memref<1000xf32, #tpu.memory_space<vmem>>)
    %dma_wait3A_152 = arith.constant 0 : i32
    %dma_wait3A_153 = tpu.memref_slice %arg3[%dma_wait3A_152] : memref<64000xf32, #tpu.memory_space<hbm>> -> memref<1000xf32, #tpu.memory_space<hbm>>
    %dma_wait3A_154 = arith.constant 0 : i32
    %dma_wait3A_155 = tpu.memref_slice %arg3[%dma_wait3A_154] : memref<64000xf32, #tpu.memory_space<hbm>> -> memref<1000xf32, #tpu.memory_space<hbm>>
    tpu.wait_dma2 semaphore(%arg15 : memref<!tpu.dma_semaphore, #tpu.memory_space<semaphore_mem>>) src(%dma_wait3A_155 : memref<1000xf32, #tpu.memory_space<hbm>>) dst(%arg12 : memref<1000xf32, #tpu.memory_space<vmem>>)
    %dma_wait3A_156 = arith.constant 0 : i32
    %dma_wait3A_157 = arith.constant 0 : i32
    %dma_wait3A_158 = arith.constant 0 : i32
    %dma_wait3A_159 = tpu.memref_slice %arg13[%dma_wait3A_156, %dma_wait3A_157, %dma_wait3A_158] : memref<32x13x128xi32, #tpu.memory_space<vmem>> -> memref<4x13x128xi32, #tpu.memory_space<vmem>>
    %dma_wait3A_160 = arith.constant 0 : i32
    %dma_wait3A_161 = arith.constant 0 : i32
    %dma_wait3A_162 = arith.constant 0 : i32
    %dma_wait3A_163 = tpu.memref_slice %arg2[%dma_wait3A_160, %dma_wait3A_161, %dma_wait3A_162] : memref<32x56x128xi32, #tpu.memory_space<hbm>> -> memref<4x13x128xi32, #tpu.memory_space<hbm>>
    %dma_wait3A_164 = arith.constant 0 : i32
    %dma_wait3A_165 = arith.constant 0 : i32
    %dma_wait3A_166 = arith.constant 0 : i32
    %dma_wait3A_167 = tpu.memref_slice %arg13[%dma_wait3A_164, %dma_wait3A_165, %dma_wait3A_166] : memref<32x13x128xi32, #tpu.memory_space<vmem>> -> memref<4x13x128xi32, #tpu.memory_space<vmem>>
    %dma_wait3A_168 = arith.constant 0 : i32
    %dma_wait3A_169 = arith.constant 0 : i32
    %dma_wait3A_170 = arith.constant 0 : i32
    %dma_wait3A_171 = tpu.memref_slice %arg2[%dma_wait3A_168, %dma_wait3A_169, %dma_wait3A_170] : memref<32x56x128xi32, #tpu.memory_space<hbm>> -> memref<4x13x128xi32, #tpu.memory_space<hbm>>
    tpu.wait_dma2 semaphore(%arg15 : memref<!tpu.dma_semaphore, #tpu.memory_space<semaphore_mem>>) src(%dma_wait3A_171 : memref<4x13x128xi32, #tpu.memory_space<hbm>>) dst(%dma_wait3A_167 : memref<4x13x128xi32, #tpu.memory_space<vmem>>)
    %scan3A = arith.constant 0 : i32
    %scan3A_172 = arith.constant 0 : i32
    %scan3A_173 = arith.constant 8 : i32
    %scan3A_174 = arith.addi %scan3A_172, %scan3A_173 : i32
    %scan3A_175 = arith.constant 1 : i32
    scf.for %scan3A_269 = %scan3A_172 to %scan3A_174 step %scan3A_175  : i32 {
      %eq3A = arith.constant 1 : i32
      %eq3A_270 = arith.cmpi eq, %scan3A_269, %eq3A : i32
      %convert_element_type3A = arith.extui %eq3A_270 : i1 to i32
      %cond3A = arith.constant 0 : i32
      %cond3A_271 = arith.cmpi ne, %convert_element_type3A, %cond3A : i32
      scf.if %cond3A_271 {
        %dma_wait3A_394 = arith.constant 4 : i32
        %dma_wait3A_395 = arith.constant 0 : i32
        %dma_wait3A_396 = arith.constant 0 : i32
        %dma_wait3A_397 = tpu.memref_slice %arg13[%dma_wait3A_394, %dma_wait3A_395, %dma_wait3A_396] : memref<32x13x128xi32, #tpu.memory_space<vmem>> -> memref<28x13x128xi32, #tpu.memory_space<vmem>>
        %dma_wait3A_398 = arith.constant 4 : i32
        %dma_wait3A_399 = arith.constant 0 : i32
        %dma_wait3A_400 = arith.constant 0 : i32
        %dma_wait3A_401 = tpu.memref_slice %arg2[%dma_wait3A_398, %dma_wait3A_399, %dma_wait3A_400] : memref<32x56x128xi32, #tpu.memory_space<hbm>> -> memref<28x13x128xi32, #tpu.memory_space<hbm>>
        %dma_wait3A_402 = arith.constant 4 : i32
        %dma_wait3A_403 = arith.constant 0 : i32
        %dma_wait3A_404 = arith.constant 0 : i32
        %dma_wait3A_405 = tpu.memref_slice %arg13[%dma_wait3A_402, %dma_wait3A_403, %dma_wait3A_404] : memref<32x13x128xi32, #tpu.memory_space<vmem>> -> memref<28x13x128xi32, #tpu.memory_space<vmem>>
        %dma_wait3A_406 = arith.constant 4 : i32
        %dma_wait3A_407 = arith.constant 0 : i32
        %dma_wait3A_408 = arith.constant 0 : i32
        %dma_wait3A_409 = tpu.memref_slice %arg2[%dma_wait3A_406, %dma_wait3A_407, %dma_wait3A_408] : memref<32x56x128xi32, #tpu.memory_space<hbm>> -> memref<28x13x128xi32, #tpu.memory_space<hbm>>
        tpu.wait_dma2 semaphore(%arg16 : memref<!tpu.dma_semaphore, #tpu.memory_space<semaphore_mem>>) src(%dma_wait3A_409 : memref<28x13x128xi32, #tpu.memory_space<hbm>>) dst(%dma_wait3A_405 : memref<28x13x128xi32, #tpu.memory_space<vmem>>)
      } else {
      }
      %mul3A_272 = arith.constant 4 : i32
      %mul3A_273 = arith.muli %mul3A_272, %scan3A_269 : i32
      %add3A_274 = arith.constant 0 : i32
      %add3A_275 = arith.addi %mul3A_273, %add3A_274 : i32
      %gt3A = arith.constant 0 : i32
      %gt3A_276 = arith.cmpi sgt, %scan3A_269, %gt3A : i32
      %convert_element_type3A_277 = arith.extui %gt3A_276 : i1 to i32
      %cond3A_278 = arith.constant 0 : i32
      %cond3A_279 = arith.cmpi ne, %convert_element_type3A_277, %cond3A_278 : i32
      scf.if %cond3A_279 {
        %dma_wait3A_394 = arith.constant 0 : i32
        %dma_wait3A_395 = arith.constant 0 : i32
        %dma_wait3A_396 = arith.constant 0 : i32
        %dma_wait3A_397 = arith.constant 0 : i32
        %dma_wait3A_398 = arith.constant 0 : i32
        %dma_wait3A_399 = arith.constant 0 : i32
        %dma_wait3A_400 = tpu.memref_slice %arg14[%dma_wait3A_394, %dma_wait3A_397, %dma_wait3A_398, %dma_wait3A_399] : memref<4x13x8x128xf32, #tpu.memory_space<vmem>> -> memref<1x13x8x128xf32, #tpu.memory_space<vmem>>
        %dma_wait3A_401 = tpu.memref_squeeze %dma_wait3A_400 : memref<1x13x8x128xf32, #tpu.memory_space<vmem>> -> memref<13x8x128xf32, #tpu.memory_space<vmem>>
        %dma_wait3A_402 = arith.constant 0 : i32
        %dma_wait3A_403 = arith.constant 0 : i32
        %dma_wait3A_404 = arith.constant 0 : i32
        %dma_wait3A_405 = tpu.memref_slice %arg4[%dma_wait3A_402, %dma_wait3A_395, %dma_wait3A_396, %dma_wait3A_403, %dma_wait3A_404] : memref<50x8x32x8x128xf32, #tpu.memory_space<hbm>> -> memref<13x1x1x8x128xf32, #tpu.memory_space<hbm>>
        %dma_wait3A_406 = tpu.memref_squeeze %dma_wait3A_405 : memref<13x1x1x8x128xf32, #tpu.memory_space<hbm>> -> memref<13x8x128xf32, #tpu.memory_space<hbm>>
        %dma_wait3A_407 = arith.constant 0 : i32
        %dma_wait3A_408 = arith.constant 0 : i32
        %dma_wait3A_409 = arith.constant 0 : i32
        %dma_wait3A_410 = tpu.memref_slice %arg4[%dma_wait3A_407, %dma_wait3A_395, %dma_wait3A_396, %dma_wait3A_408, %dma_wait3A_409] : memref<50x8x32x8x128xf32, #tpu.memory_space<hbm>> -> memref<13x1x1x8x128xf32, #tpu.memory_space<hbm>>
        %dma_wait3A_411 = tpu.memref_squeeze %dma_wait3A_410 : memref<13x1x1x8x128xf32, #tpu.memory_space<hbm>> -> memref<13x8x128xf32, #tpu.memory_space<hbm>>
        %dma_wait3A_412 = arith.constant 0 : i32
        %dma_wait3A_413 = arith.constant 0 : i32
        %dma_wait3A_414 = arith.constant 0 : i32
        %dma_wait3A_415 = tpu.memref_slice %arg14[%dma_wait3A_394, %dma_wait3A_412, %dma_wait3A_413, %dma_wait3A_414] : memref<4x13x8x128xf32, #tpu.memory_space<vmem>> -> memref<1x13x8x128xf32, #tpu.memory_space<vmem>>
        %dma_wait3A_416 = tpu.memref_squeeze %dma_wait3A_415 : memref<1x13x8x128xf32, #tpu.memory_space<vmem>> -> memref<13x8x128xf32, #tpu.memory_space<vmem>>
        tpu.wait_dma2 semaphore(%arg17 : memref<!tpu.dma_semaphore, #tpu.memory_space<semaphore_mem>>) src(%dma_wait3A_416 : memref<13x8x128xf32, #tpu.memory_space<vmem>>) dst(%dma_wait3A_411 : memref<13x8x128xf32, #tpu.memory_space<hbm>>)
      } else {
      }
      %parallel_loop3A = arith.constant 0 : i32
      %parallel_loop3A_280 = arith.constant 104 : i32
      %parallel_loop3A_281 = arith.constant 1 : i32
      scf.for %parallel_loop3A_394 = %parallel_loop3A to %parallel_loop3A_280 step %parallel_loop3A_281  : i32 {
        %parallel_loop3A_395 = arith.constant 8 : i32
        %parallel_loop3A_396 = arith.divsi %parallel_loop3A_394, %parallel_loop3A_395 : i32
        %parallel_loop3A_397 = arith.constant 0 : i32
        %parallel_loop3A_398 = arith.cmpi sgt, %parallel_loop3A_394, %parallel_loop3A_397 : i32
        %parallel_loop3A_399 = arith.extui %parallel_loop3A_398 : i1 to i32
        %parallel_loop3A_400 = arith.constant 0 : i32
        %parallel_loop3A_401 = arith.cmpi slt, %parallel_loop3A_394, %parallel_loop3A_400 : i32
        %parallel_loop3A_402 = arith.extui %parallel_loop3A_401 : i1 to i32
        %parallel_loop3A_403 = arith.subi %parallel_loop3A_399, %parallel_loop3A_402 : i32
        %parallel_loop3A_404 = arith.constant 0 : i32
        %parallel_loop3A_405 = arith.cmpi sgt, %parallel_loop3A_395, %parallel_loop3A_404 : i32
        %parallel_loop3A_406 = arith.extui %parallel_loop3A_405 : i1 to i32
        %parallel_loop3A_407 = arith.constant 0 : i32
        %parallel_loop3A_408 = arith.cmpi slt, %parallel_loop3A_395, %parallel_loop3A_407 : i32
        %parallel_loop3A_409 = arith.extui %parallel_loop3A_408 : i1 to i32
        %parallel_loop3A_410 = arith.subi %parallel_loop3A_406, %parallel_loop3A_409 : i32
        %parallel_loop3A_411 = arith.cmpi ne, %parallel_loop3A_403, %parallel_loop3A_410 : i32
        %parallel_loop3A_412 = arith.remsi %parallel_loop3A_394, %parallel_loop3A_395 : i32
        %parallel_loop3A_413 = arith.constant 0 : i32
        %parallel_loop3A_414 = arith.cmpi ne, %parallel_loop3A_412, %parallel_loop3A_413 : i32
        %parallel_loop3A_415 = arith.andi %parallel_loop3A_411, %parallel_loop3A_414 : i1
        %parallel_loop3A_416 = arith.constant 1 : i32
        %parallel_loop3A_417 = arith.subi %parallel_loop3A_396, %parallel_loop3A_416 : i32
        %parallel_loop3A_418 = arith.select %parallel_loop3A_415, %parallel_loop3A_417, %parallel_loop3A_396 : i32
        %parallel_loop3A_419 = arith.constant 8 : i32
        %parallel_loop3A_420 = arith.constant 0 : i32
        %parallel_loop3A_421 = arith.cmpi eq, %parallel_loop3A_419, %parallel_loop3A_420 : i32
        %parallel_loop3A_422 = arith.constant 1 : i32
        %parallel_loop3A_423 = arith.select %parallel_loop3A_421, %parallel_loop3A_422, %parallel_loop3A_419 : i32
        %parallel_loop3A_424 = arith.remsi %parallel_loop3A_394, %parallel_loop3A_423 : i32
        %parallel_loop3A_425 = arith.constant 0 : i32
        %parallel_loop3A_426 = arith.cmpi ne, %parallel_loop3A_424, %parallel_loop3A_425 : i32
        %parallel_loop3A_427 = arith.constant 0 : i32
        %parallel_loop3A_428 = arith.cmpi slt, %parallel_loop3A_424, %parallel_loop3A_427 : i32
        %parallel_loop3A_429 = arith.constant 0 : i32
        %parallel_loop3A_430 = arith.cmpi slt, %parallel_loop3A_423, %parallel_loop3A_429 : i32
        %parallel_loop3A_431 = arith.xori %parallel_loop3A_428, %parallel_loop3A_430 : i1
        %parallel_loop3A_432 = arith.andi %parallel_loop3A_431, %parallel_loop3A_426 : i1
        %parallel_loop3A_433 = arith.addi %parallel_loop3A_424, %parallel_loop3A_423 : i32
        %parallel_loop3A_434 = arith.select %parallel_loop3A_432, %parallel_loop3A_433, %parallel_loop3A_424 : i32
        %parallel_loop3A_435 = arith.constant 16 : i32
        %parallel_loop3A_436 = arith.muli %parallel_loop3A_434, %parallel_loop3A_435 : i32
        %parallel_loop3A_437 = arith.index_cast %add3A_275 : i32 to index
        %parallel_loop3A_438 = arith.index_cast %parallel_loop3A_418 : i32 to index
        %parallel_loop3A_439 = arith.index_cast %parallel_loop3A_436 : i32 to index
        %parallel_loop3A_440 = tpu.vector_load %arg13[%parallel_loop3A_437, %parallel_loop3A_438, %parallel_loop3A_439] {strides = array<i32>} : memref<32x13x128xi32, #tpu.memory_space<vmem>>, vector<16xi32>,
        %parallel_loop3A_441 = tpu.vector_load_idx %arg5[%parallel_loop3A_440] : memref<1000xf32, #tpu.memory_space<vmem>>[vector<16xi32>], vector<16xf32>,
        %parallel_loop3A_442 = arith.constant 16 : i32
        %parallel_loop3A_443 = arith.muli %parallel_loop3A_434, %parallel_loop3A_442 : i32
        %parallel_loop3A_444 = arith.constant 0 : i32
        %parallel_loop3A_445 = arith.constant 0 : i32
        %parallel_loop3A_446 = arith.index_cast %parallel_loop3A_444 : i32 to index
        %parallel_loop3A_447 = arith.index_cast %parallel_loop3A_418 : i32 to index
        %parallel_loop3A_448 = arith.index_cast %parallel_loop3A_445 : i32 to index
        %parallel_loop3A_449 = arith.index_cast %parallel_loop3A_443 : i32 to index
        %parallel_loop3A_450 = tpu.vector_load %arg14[%parallel_loop3A_446, %parallel_loop3A_447, %parallel_loop3A_448, %parallel_loop3A_449] {strides = array<i32>} : memref<4x13x8x128xf32, #tpu.memory_space<vmem>>, vector<16xf32>,
        tpu.vector_store %arg14[%parallel_loop3A_446, %parallel_loop3A_447, %parallel_loop3A_448, %parallel_loop3A_449], %parallel_loop3A_441 {strides = array<i32>} : memref<4x13x8x128xf32, #tpu.memory_space<vmem>>, vector<16xf32>,
        %parallel_loop3A_451 = tpu.vector_load_idx %arg6[%parallel_loop3A_440] : memref<1000xf32, #tpu.memory_space<vmem>>[vector<16xi32>], vector<16xf32>,
        %parallel_loop3A_452 = arith.constant 16 : i32
        %parallel_loop3A_453 = arith.muli %parallel_loop3A_434, %parallel_loop3A_452 : i32
        %parallel_loop3A_454 = arith.constant 0 : i32
        %parallel_loop3A_455 = arith.constant 1 : i32
        %parallel_loop3A_456 = arith.index_cast %parallel_loop3A_454 : i32 to index
        %parallel_loop3A_457 = arith.index_cast %parallel_loop3A_418 : i32 to index
        %parallel_loop3A_458 = arith.index_cast %parallel_loop3A_455 : i32 to index
        %parallel_loop3A_459 = arith.index_cast %parallel_loop3A_453 : i32 to index
        %parallel_loop3A_460 = tpu.vector_load %arg14[%parallel_loop3A_456, %parallel_loop3A_457, %parallel_loop3A_458, %parallel_loop3A_459] {strides = array<i32>} : memref<4x13x8x128xf32, #tpu.memory_space<vmem>>, vector<16xf32>,
        tpu.vector_store %arg14[%parallel_loop3A_456, %parallel_loop3A_457, %parallel_loop3A_458, %parallel_loop3A_459], %parallel_loop3A_451 {strides = array<i32>} : memref<4x13x8x128xf32, #tpu.memory_space<vmem>>, vector<16xf32>,
        %parallel_loop3A_461 = tpu.vector_load_idx %arg7[%parallel_loop3A_440] : memref<1000xf32, #tpu.memory_space<vmem>>[vector<16xi32>], vector<16xf32>,
        %parallel_loop3A_462 = arith.constant 16 : i32
        %parallel_loop3A_463 = arith.muli %parallel_loop3A_434, %parallel_loop3A_462 : i32
        %parallel_loop3A_464 = arith.constant 0 : i32
        %parallel_loop3A_465 = arith.constant 2 : i32
        %parallel_loop3A_466 = arith.index_cast %parallel_loop3A_464 : i32 to index
        %parallel_loop3A_467 = arith.index_cast %parallel_loop3A_418 : i32 to index
        %parallel_loop3A_468 = arith.index_cast %parallel_loop3A_465 : i32 to index
        %parallel_loop3A_469 = arith.index_cast %parallel_loop3A_463 : i32 to index
        %parallel_loop3A_470 = tpu.vector_load %arg14[%parallel_loop3A_466, %parallel_loop3A_467, %parallel_loop3A_468, %parallel_loop3A_469] {strides = array<i32>} : memref<4x13x8x128xf32, #tpu.memory_space<vmem>>, vector<16xf32>,
        tpu.vector_store %arg14[%parallel_loop3A_466, %parallel_loop3A_467, %parallel_loop3A_468, %parallel_loop3A_469], %parallel_loop3A_461 {strides = array<i32>} : memref<4x13x8x128xf32, #tpu.memory_space<vmem>>, vector<16xf32>,
        %parallel_loop3A_471 = tpu.vector_load_idx %arg8[%parallel_loop3A_440] : memref<1000xf32, #tpu.memory_space<vmem>>[vector<16xi32>], vector<16xf32>,
        %parallel_loop3A_472 = arith.constant 16 : i32
        %parallel_loop3A_473 = arith.muli %parallel_loop3A_434, %parallel_loop3A_472 : i32
        %parallel_loop3A_474 = arith.constant 0 : i32
        %parallel_loop3A_475 = arith.constant 3 : i32
        %parallel_loop3A_476 = arith.index_cast %parallel_loop3A_474 : i32 to index
        %parallel_loop3A_477 = arith.index_cast %parallel_loop3A_418 : i32 to index
        %parallel_loop3A_478 = arith.index_cast %parallel_loop3A_475 : i32 to index
        %parallel_loop3A_479 = arith.index_cast %parallel_loop3A_473 : i32 to index
        %parallel_loop3A_480 = tpu.vector_load %arg14[%parallel_loop3A_476, %parallel_loop3A_477, %parallel_loop3A_478, %parallel_loop3A_479] {strides = array<i32>} : memref<4x13x8x128xf32, #tpu.memory_space<vmem>>, vector<16xf32>,
        tpu.vector_store %arg14[%parallel_loop3A_476, %parallel_loop3A_477, %parallel_loop3A_478, %parallel_loop3A_479], %parallel_loop3A_471 {strides = array<i32>} : memref<4x13x8x128xf32, #tpu.memory_space<vmem>>, vector<16xf32>,
        %parallel_loop3A_481 = tpu.vector_load_idx %arg9[%parallel_loop3A_440] : memref<1000xf32, #tpu.memory_space<vmem>>[vector<16xi32>], vector<16xf32>,
        %parallel_loop3A_482 = arith.constant 16 : i32
        %parallel_loop3A_483 = arith.muli %parallel_loop3A_434, %parallel_loop3A_482 : i32
        %parallel_loop3A_484 = arith.constant 0 : i32
        %parallel_loop3A_485 = arith.constant 4 : i32
        %parallel_loop3A_486 = arith.index_cast %parallel_loop3A_484 : i32 to index
        %parallel_loop3A_487 = arith.index_cast %parallel_loop3A_418 : i32 to index
        %parallel_loop3A_488 = arith.index_cast %parallel_loop3A_485 : i32 to index
        %parallel_loop3A_489 = arith.index_cast %parallel_loop3A_483 : i32 to index
        %parallel_loop3A_490 = tpu.vector_load %arg14[%parallel_loop3A_486, %parallel_loop3A_487, %parallel_loop3A_488, %parallel_loop3A_489] {strides = array<i32>} : memref<4x13x8x128xf32, #tpu.memory_space<vmem>>, vector<16xf32>,
        tpu.vector_store %arg14[%parallel_loop3A_486, %parallel_loop3A_487, %parallel_loop3A_488, %parallel_loop3A_489], %parallel_loop3A_481 {strides = array<i32>} : memref<4x13x8x128xf32, #tpu.memory_space<vmem>>, vector<16xf32>,
        %parallel_loop3A_491 = tpu.vector_load_idx %arg10[%parallel_loop3A_440] : memref<1000xf32, #tpu.memory_space<vmem>>[vector<16xi32>], vector<16xf32>,
        %parallel_loop3A_492 = arith.constant 16 : i32
        %parallel_loop3A_493 = arith.muli %parallel_loop3A_434, %parallel_loop3A_492 : i32
        %parallel_loop3A_494 = arith.constant 0 : i32
        %parallel_loop3A_495 = arith.constant 5 : i32
        %parallel_loop3A_496 = arith.index_cast %parallel_loop3A_494 : i32 to index
        %parallel_loop3A_497 = arith.index_cast %parallel_loop3A_418 : i32 to index
        %parallel_loop3A_498 = arith.index_cast %parallel_loop3A_495 : i32 to index
        %parallel_loop3A_499 = arith.index_cast %parallel_loop3A_493 : i32 to index
        %parallel_loop3A_500 = tpu.vector_load %arg14[%parallel_loop3A_496, %parallel_loop3A_497, %parallel_loop3A_498, %parallel_loop3A_499] {strides = array<i32>} : memref<4x13x8x128xf32, #tpu.memory_space<vmem>>, vector<16xf32>,
        tpu.vector_store %arg14[%parallel_loop3A_496, %parallel_loop3A_497, %parallel_loop3A_498, %parallel_loop3A_499], %parallel_loop3A_491 {strides = array<i32>} : memref<4x13x8x128xf32, #tpu.memory_space<vmem>>, vector<16xf32>,
        %parallel_loop3A_501 = tpu.vector_load_idx %arg11[%parallel_loop3A_440] : memref<1000xf32, #tpu.memory_space<vmem>>[vector<16xi32>], vector<16xf32>,
        %parallel_loop3A_502 = arith.constant 16 : i32
        %parallel_loop3A_503 = arith.muli %parallel_loop3A_434, %parallel_loop3A_502 : i32
        %parallel_loop3A_504 = arith.constant 0 : i32
        %parallel_loop3A_505 = arith.constant 6 : i32
        %parallel_loop3A_506 = arith.index_cast %parallel_loop3A_504 : i32 to index
        %parallel_loop3A_507 = arith.index_cast %parallel_loop3A_418 : i32 to index
        %parallel_loop3A_508 = arith.index_cast %parallel_loop3A_505 : i32 to index
        %parallel_loop3A_509 = arith.index_cast %parallel_loop3A_503 : i32 to index
        %parallel_loop3A_510 = tpu.vector_load %arg14[%parallel_loop3A_506, %parallel_loop3A_507, %parallel_loop3A_508, %parallel_loop3A_509] {strides = array<i32>} : memref<4x13x8x128xf32, #tpu.memory_space<vmem>>, vector<16xf32>,
        tpu.vector_store %arg14[%parallel_loop3A_506, %parallel_loop3A_507, %parallel_loop3A_508, %parallel_loop3A_509], %parallel_loop3A_501 {strides = array<i32>} : memref<4x13x8x128xf32, #tpu.memory_space<vmem>>, vector<16xf32>,
        %parallel_loop3A_511 = tpu.vector_load_idx %arg12[%parallel_loop3A_440] : memref<1000xf32, #tpu.memory_space<vmem>>[vector<16xi32>], vector<16xf32>,
        %parallel_loop3A_512 = arith.constant 16 : i32
        %parallel_loop3A_513 = arith.muli %parallel_loop3A_434, %parallel_loop3A_512 : i32
        %parallel_loop3A_514 = arith.constant 0 : i32
        %parallel_loop3A_515 = arith.constant 7 : i32
        %parallel_loop3A_516 = arith.index_cast %parallel_loop3A_514 : i32 to index
        %parallel_loop3A_517 = arith.index_cast %parallel_loop3A_418 : i32 to index
        %parallel_loop3A_518 = arith.index_cast %parallel_loop3A_515 : i32 to index
        %parallel_loop3A_519 = arith.index_cast %parallel_loop3A_513 : i32 to index
        %parallel_loop3A_520 = tpu.vector_load %arg14[%parallel_loop3A_516, %parallel_loop3A_517, %parallel_loop3A_518, %parallel_loop3A_519] {strides = array<i32>} : memref<4x13x8x128xf32, #tpu.memory_space<vmem>>, vector<16xf32>,
        tpu.vector_store %arg14[%parallel_loop3A_516, %parallel_loop3A_517, %parallel_loop3A_518, %parallel_loop3A_519], %parallel_loop3A_511 {strides = array<i32>} : memref<4x13x8x128xf32, #tpu.memory_space<vmem>>, vector<16xf32>,
      } {sc.loop_unroll_factor = 1 : i64, sc.parallel_access}
      %dma_start3A_282 = arith.constant 0 : i32
      %dma_start3A_283 = arith.constant 0 : i32
      %dma_start3A_284 = arith.constant 0 : i32
      %dma_start3A_285 = arith.constant 0 : i32
      %dma_start3A_286 = tpu.memref_slice %arg14[%dma_start3A_282, %dma_start3A_283, %dma_start3A_284, %dma_start3A_285] : memref<4x13x8x128xf32, #tpu.memory_space<vmem>> -> memref<1x13x8x128xf32, #tpu.memory_space<vmem>>
      %dma_start3A_287 = tpu.memref_squeeze %dma_start3A_286 : memref<1x13x8x128xf32, #tpu.memory_space<vmem>> -> memref<13x8x128xf32, #tpu.memory_space<vmem>>
      %dma_start3A_288 = arith.constant 0 : i32
      %dma_start3A_289 = arith.constant 0 : i32
      %dma_start3A_290 = tpu.memref_slice %arg4[%sub3A_49, %rem3A_1, %add3A_275, %dma_start3A_288, %dma_start3A_289] : memref<50x8x32x8x128xf32, #tpu.memory_space<hbm>> -> memref<13x1x1x8x128xf32, #tpu.memory_space<hbm>>
      %dma_start3A_291 = tpu.memref_squeeze %dma_start3A_290 : memref<13x1x1x8x128xf32, #tpu.memory_space<hbm>> -> memref<13x8x128xf32, #tpu.memory_space<hbm>>
      %dma_start3A_292 = arith.constant 0 : i32
      %dma_start3A_293 = arith.constant 0 : i32
      %dma_start3A_294 = tpu.memref_slice %arg4[%sub3A_49, %rem3A_1, %add3A_275, %dma_start3A_292, %dma_start3A_293] : memref<50x8x32x8x128xf32, #tpu.memory_space<hbm>> -> memref<13x1x1x8x128xf32, #tpu.memory_space<hbm>>
      %dma_start3A_295 = tpu.memref_squeeze %dma_start3A_294 : memref<13x1x1x8x128xf32, #tpu.memory_space<hbm>> -> memref<13x8x128xf32, #tpu.memory_space<hbm>>
      %dma_start3A_296 = arith.constant 0 : i32
      %dma_start3A_297 = arith.constant 0 : i32
      %dma_start3A_298 = arith.constant 0 : i32
      %dma_start3A_299 = tpu.memref_slice %arg14[%dma_start3A_282, %dma_start3A_296, %dma_start3A_297, %dma_start3A_298] : memref<4x13x8x128xf32, #tpu.memory_space<vmem>> -> memref<1x13x8x128xf32, #tpu.memory_space<vmem>>
      %dma_start3A_300 = tpu.memref_squeeze %dma_start3A_299 : memref<1x13x8x128xf32, #tpu.memory_space<vmem>> -> memref<13x8x128xf32, #tpu.memory_space<vmem>>
      tpu.enqueue_dma source(%dma_start3A_300 : memref<13x8x128xf32, #tpu.memory_space<vmem>>) target(%dma_start3A_295 : memref<13x8x128xf32, #tpu.memory_space<hbm>>) target_semaphore(%arg17 : memref<!tpu.dma_semaphore, #tpu.memory_space<semaphore_mem>>)
      %mul3A_301 = arith.constant 4 : i32
      %mul3A_302 = arith.muli %mul3A_301, %scan3A_269 : i32
      %add3A_303 = arith.constant 1 : i32
      %add3A_304 = arith.addi %mul3A_302, %add3A_303 : i32
      %gt3A_305 = arith.constant 0 : i32
      %gt3A_306 = arith.cmpi sgt, %scan3A_269, %gt3A_305 : i32
      %convert_element_type3A_307 = arith.extui %gt3A_306 : i1 to i32
      %cond3A_308 = arith.constant 0 : i32
      %cond3A_309 = arith.cmpi ne, %convert_element_type3A_307, %cond3A_308 : i32
      scf.if %cond3A_309 {
        %dma_wait3A_394 = arith.constant 1 : i32
        %dma_wait3A_395 = arith.constant 0 : i32
        %dma_wait3A_396 = arith.constant 0 : i32
        %dma_wait3A_397 = arith.constant 0 : i32
        %dma_wait3A_398 = arith.constant 0 : i32
        %dma_wait3A_399 = arith.constant 0 : i32
        %dma_wait3A_400 = tpu.memref_slice %arg14[%dma_wait3A_394, %dma_wait3A_397, %dma_wait3A_398, %dma_wait3A_399] : memref<4x13x8x128xf32, #tpu.memory_space<vmem>> -> memref<1x13x8x128xf32, #tpu.memory_space<vmem>>
        %dma_wait3A_401 = tpu.memref_squeeze %dma_wait3A_400 : memref<1x13x8x128xf32, #tpu.memory_space<vmem>> -> memref<13x8x128xf32, #tpu.memory_space<vmem>>
        %dma_wait3A_402 = arith.constant 0 : i32
        %dma_wait3A_403 = arith.constant 0 : i32
        %dma_wait3A_404 = arith.constant 0 : i32
        %dma_wait3A_405 = tpu.memref_slice %arg4[%dma_wait3A_402, %dma_wait3A_395, %dma_wait3A_396, %dma_wait3A_403, %dma_wait3A_404] : memref<50x8x32x8x128xf32, #tpu.memory_space<hbm>> -> memref<13x1x1x8x128xf32, #tpu.memory_space<hbm>>
        %dma_wait3A_406 = tpu.memref_squeeze %dma_wait3A_405 : memref<13x1x1x8x128xf32, #tpu.memory_space<hbm>> -> memref<13x8x128xf32, #tpu.memory_space<hbm>>
        %dma_wait3A_407 = arith.constant 0 : i32
        %dma_wait3A_408 = arith.constant 0 : i32
        %dma_wait3A_409 = arith.constant 0 : i32
        %dma_wait3A_410 = tpu.memref_slice %arg4[%dma_wait3A_407, %dma_wait3A_395, %dma_wait3A_396, %dma_wait3A_408, %dma_wait3A_409] : memref<50x8x32x8x128xf32, #tpu.memory_space<hbm>> -> memref<13x1x1x8x128xf32, #tpu.memory_space<hbm>>
        %dma_wait3A_411 = tpu.memref_squeeze %dma_wait3A_410 : memref<13x1x1x8x128xf32, #tpu.memory_space<hbm>> -> memref<13x8x128xf32, #tpu.memory_space<hbm>>
        %dma_wait3A_412 = arith.constant 0 : i32
        %dma_wait3A_413 = arith.constant 0 : i32
        %dma_wait3A_414 = arith.constant 0 : i32
        %dma_wait3A_415 = tpu.memref_slice %arg14[%dma_wait3A_394, %dma_wait3A_412, %dma_wait3A_413, %dma_wait3A_414] : memref<4x13x8x128xf32, #tpu.memory_space<vmem>> -> memref<1x13x8x128xf32, #tpu.memory_space<vmem>>
        %dma_wait3A_416 = tpu.memref_squeeze %dma_wait3A_415 : memref<1x13x8x128xf32, #tpu.memory_space<vmem>> -> memref<13x8x128xf32, #tpu.memory_space<vmem>>
        tpu.wait_dma2 semaphore(%arg18 : memref<!tpu.dma_semaphore, #tpu.memory_space<semaphore_mem>>) src(%dma_wait3A_416 : memref<13x8x128xf32, #tpu.memory_space<vmem>>) dst(%dma_wait3A_411 : memref<13x8x128xf32, #tpu.memory_space<hbm>>)
      } else {
      }
      %parallel_loop3A_310 = arith.constant 0 : i32
      %parallel_loop3A_311 = arith.constant 104 : i32
      %parallel_loop3A_312 = arith.constant 1 : i32
      scf.for %parallel_loop3A_394 = %parallel_loop3A_310 to %parallel_loop3A_311 step %parallel_loop3A_312  : i32 {
        %parallel_loop3A_395 = arith.constant 8 : i32
        %parallel_loop3A_396 = arith.divsi %parallel_loop3A_394, %parallel_loop3A_395 : i32
        %parallel_loop3A_397 = arith.constant 0 : i32
        %parallel_loop3A_398 = arith.cmpi sgt, %parallel_loop3A_394, %parallel_loop3A_397 : i32
        %parallel_loop3A_399 = arith.extui %parallel_loop3A_398 : i1 to i32
        %parallel_loop3A_400 = arith.constant 0 : i32
        %parallel_loop3A_401 = arith.cmpi slt, %parallel_loop3A_394, %parallel_loop3A_400 : i32
        %parallel_loop3A_402 = arith.extui %parallel_loop3A_401 : i1 to i32
        %parallel_loop3A_403 = arith.subi %parallel_loop3A_399, %parallel_loop3A_402 : i32
        %parallel_loop3A_404 = arith.constant 0 : i32
        %parallel_loop3A_405 = arith.cmpi sgt, %parallel_loop3A_395, %parallel_loop3A_404 : i32
        %parallel_loop3A_406 = arith.extui %parallel_loop3A_405 : i1 to i32
        %parallel_loop3A_407 = arith.constant 0 : i32
        %parallel_loop3A_408 = arith.cmpi slt, %parallel_loop3A_395, %parallel_loop3A_407 : i32
        %parallel_loop3A_409 = arith.extui %parallel_loop3A_408 : i1 to i32
        %parallel_loop3A_410 = arith.subi %parallel_loop3A_406, %parallel_loop3A_409 : i32
        %parallel_loop3A_411 = arith.cmpi ne, %parallel_loop3A_403, %parallel_loop3A_410 : i32
        %parallel_loop3A_412 = arith.remsi %parallel_loop3A_394, %parallel_loop3A_395 : i32
        %parallel_loop3A_413 = arith.constant 0 : i32
        %parallel_loop3A_414 = arith.cmpi ne, %parallel_loop3A_412, %parallel_loop3A_413 : i32
        %parallel_loop3A_415 = arith.andi %parallel_loop3A_411, %parallel_loop3A_414 : i1
        %parallel_loop3A_416 = arith.constant 1 : i32
        %parallel_loop3A_417 = arith.subi %parallel_loop3A_396, %parallel_loop3A_416 : i32
        %parallel_loop3A_418 = arith.select %parallel_loop3A_415, %parallel_loop3A_417, %parallel_loop3A_396 : i32
        %parallel_loop3A_419 = arith.constant 8 : i32
        %parallel_loop3A_420 = arith.constant 0 : i32
        %parallel_loop3A_421 = arith.cmpi eq, %parallel_loop3A_419, %parallel_loop3A_420 : i32
        %parallel_loop3A_422 = arith.constant 1 : i32
        %parallel_loop3A_423 = arith.select %parallel_loop3A_421, %parallel_loop3A_422, %parallel_loop3A_419 : i32
        %parallel_loop3A_424 = arith.remsi %parallel_loop3A_394, %parallel_loop3A_423 : i32
        %parallel_loop3A_425 = arith.constant 0 : i32
        %parallel_loop3A_426 = arith.cmpi ne, %parallel_loop3A_424, %parallel_loop3A_425 : i32
        %parallel_loop3A_427 = arith.constant 0 : i32
        %parallel_loop3A_428 = arith.cmpi slt, %parallel_loop3A_424, %parallel_loop3A_427 : i32
        %parallel_loop3A_429 = arith.constant 0 : i32
        %parallel_loop3A_430 = arith.cmpi slt, %parallel_loop3A_423, %parallel_loop3A_429 : i32
        %parallel_loop3A_431 = arith.xori %parallel_loop3A_428, %parallel_loop3A_430 : i1
        %parallel_loop3A_432 = arith.andi %parallel_loop3A_431, %parallel_loop3A_426 : i1
        %parallel_loop3A_433 = arith.addi %parallel_loop3A_424, %parallel_loop3A_423 : i32
        %parallel_loop3A_434 = arith.select %parallel_loop3A_432, %parallel_loop3A_433, %parallel_loop3A_424 : i32
        %parallel_loop3A_435 = arith.constant 16 : i32
        %parallel_loop3A_436 = arith.muli %parallel_loop3A_434, %parallel_loop3A_435 : i32
        %parallel_loop3A_437 = arith.index_cast %add3A_304 : i32 to index
        %parallel_loop3A_438 = arith.index_cast %parallel_loop3A_418 : i32 to index
        %parallel_loop3A_439 = arith.index_cast %parallel_loop3A_436 : i32 to index
        %parallel_loop3A_440 = tpu.vector_load %arg13[%parallel_loop3A_437, %parallel_loop3A_438, %parallel_loop3A_439] {strides = array<i32>} : memref<32x13x128xi32, #tpu.memory_space<vmem>>, vector<16xi32>,
        %parallel_loop3A_441 = tpu.vector_load_idx %arg5[%parallel_loop3A_440] : memref<1000xf32, #tpu.memory_space<vmem>>[vector<16xi32>], vector<16xf32>,
        %parallel_loop3A_442 = arith.constant 16 : i32
        %parallel_loop3A_443 = arith.muli %parallel_loop3A_434, %parallel_loop3A_442 : i32
        %parallel_loop3A_444 = arith.constant 1 : i32
        %parallel_loop3A_445 = arith.constant 0 : i32
        %parallel_loop3A_446 = arith.index_cast %parallel_loop3A_444 : i32 to index
        %parallel_loop3A_447 = arith.index_cast %parallel_loop3A_418 : i32 to index
        %parallel_loop3A_448 = arith.index_cast %parallel_loop3A_445 : i32 to index
        %parallel_loop3A_449 = arith.index_cast %parallel_loop3A_443 : i32 to index
        %parallel_loop3A_450 = tpu.vector_load %arg14[%parallel_loop3A_446, %parallel_loop3A_447, %parallel_loop3A_448, %parallel_loop3A_449] {strides = array<i32>} : memref<4x13x8x128xf32, #tpu.memory_space<vmem>>, vector<16xf32>,
        tpu.vector_store %arg14[%parallel_loop3A_446, %parallel_loop3A_447, %parallel_loop3A_448, %parallel_loop3A_449], %parallel_loop3A_441 {strides = array<i32>} : memref<4x13x8x128xf32, #tpu.memory_space<vmem>>, vector<16xf32>,
        %parallel_loop3A_451 = tpu.vector_load_idx %arg6[%parallel_loop3A_440] : memref<1000xf32, #tpu.memory_space<vmem>>[vector<16xi32>], vector<16xf32>,
        %parallel_loop3A_452 = arith.constant 16 : i32
        %parallel_loop3A_453 = arith.muli %parallel_loop3A_434, %parallel_loop3A_452 : i32
        %parallel_loop3A_454 = arith.constant 1 : i32
        %parallel_loop3A_455 = arith.constant 1 : i32
        %parallel_loop3A_456 = arith.index_cast %parallel_loop3A_454 : i32 to index
        %parallel_loop3A_457 = arith.index_cast %parallel_loop3A_418 : i32 to index
        %parallel_loop3A_458 = arith.index_cast %parallel_loop3A_455 : i32 to index
        %parallel_loop3A_459 = arith.index_cast %parallel_loop3A_453 : i32 to index
        %parallel_loop3A_460 = tpu.vector_load %arg14[%parallel_loop3A_456, %parallel_loop3A_457, %parallel_loop3A_458, %parallel_loop3A_459] {strides = array<i32>} : memref<4x13x8x128xf32, #tpu.memory_space<vmem>>, vector<16xf32>,
        tpu.vector_store %arg14[%parallel_loop3A_456, %parallel_loop3A_457, %parallel_loop3A_458, %parallel_loop3A_459], %parallel_loop3A_451 {strides = array<i32>} : memref<4x13x8x128xf32, #tpu.memory_space<vmem>>, vector<16xf32>,
        %parallel_loop3A_461 = tpu.vector_load_idx %arg7[%parallel_loop3A_440] : memref<1000xf32, #tpu.memory_space<vmem>>[vector<16xi32>], vector<16xf32>,
        %parallel_loop3A_462 = arith.constant 16 : i32
        %parallel_loop3A_463 = arith.muli %parallel_loop3A_434, %parallel_loop3A_462 : i32
        %parallel_loop3A_464 = arith.constant 1 : i32
        %parallel_loop3A_465 = arith.constant 2 : i32
        %parallel_loop3A_466 = arith.index_cast %parallel_loop3A_464 : i32 to index
        %parallel_loop3A_467 = arith.index_cast %parallel_loop3A_418 : i32 to index
        %parallel_loop3A_468 = arith.index_cast %parallel_loop3A_465 : i32 to index
        %parallel_loop3A_469 = arith.index_cast %parallel_loop3A_463 : i32 to index
        %parallel_loop3A_470 = tpu.vector_load %arg14[%parallel_loop3A_466, %parallel_loop3A_467, %parallel_loop3A_468, %parallel_loop3A_469] {strides = array<i32>} : memref<4x13x8x128xf32, #tpu.memory_space<vmem>>, vector<16xf32>,
        tpu.vector_store %arg14[%parallel_loop3A_466, %parallel_loop3A_467, %parallel_loop3A_468, %parallel_loop3A_469], %parallel_loop3A_461 {strides = array<i32>} : memref<4x13x8x128xf32, #tpu.memory_space<vmem>>, vector<16xf32>,
        %parallel_loop3A_471 = tpu.vector_load_idx %arg8[%parallel_loop3A_440] : memref<1000xf32, #tpu.memory_space<vmem>>[vector<16xi32>], vector<16xf32>,
        %parallel_loop3A_472 = arith.constant 16 : i32
        %parallel_loop3A_473 = arith.muli %parallel_loop3A_434, %parallel_loop3A_472 : i32
        %parallel_loop3A_474 = arith.constant 1 : i32
        %parallel_loop3A_475 = arith.constant 3 : i32
        %parallel_loop3A_476 = arith.index_cast %parallel_loop3A_474 : i32 to index
        %parallel_loop3A_477 = arith.index_cast %parallel_loop3A_418 : i32 to index
        %parallel_loop3A_478 = arith.index_cast %parallel_loop3A_475 : i32 to index
        %parallel_loop3A_479 = arith.index_cast %parallel_loop3A_473 : i32 to index
        %parallel_loop3A_480 = tpu.vector_load %arg14[%parallel_loop3A_476, %parallel_loop3A_477, %parallel_loop3A_478, %parallel_loop3A_479] {strides = array<i32>} : memref<4x13x8x128xf32, #tpu.memory_space<vmem>>, vector<16xf32>,
        tpu.vector_store %arg14[%parallel_loop3A_476, %parallel_loop3A_477, %parallel_loop3A_478, %parallel_loop3A_479], %parallel_loop3A_471 {strides = array<i32>} : memref<4x13x8x128xf32, #tpu.memory_space<vmem>>, vector<16xf32>,
        %parallel_loop3A_481 = tpu.vector_load_idx %arg9[%parallel_loop3A_440] : memref<1000xf32, #tpu.memory_space<vmem>>[vector<16xi32>], vector<16xf32>,
        %parallel_loop3A_482 = arith.constant 16 : i32
        %parallel_loop3A_483 = arith.muli %parallel_loop3A_434, %parallel_loop3A_482 : i32
        %parallel_loop3A_484 = arith.constant 1 : i32
        %parallel_loop3A_485 = arith.constant 4 : i32
        %parallel_loop3A_486 = arith.index_cast %parallel_loop3A_484 : i32 to index
        %parallel_loop3A_487 = arith.index_cast %parallel_loop3A_418 : i32 to index
        %parallel_loop3A_488 = arith.index_cast %parallel_loop3A_485 : i32 to index
        %parallel_loop3A_489 = arith.index_cast %parallel_loop3A_483 : i32 to index
        %parallel_loop3A_490 = tpu.vector_load %arg14[%parallel_loop3A_486, %parallel_loop3A_487, %parallel_loop3A_488, %parallel_loop3A_489] {strides = array<i32>} : memref<4x13x8x128xf32, #tpu.memory_space<vmem>>, vector<16xf32>,
        tpu.vector_store %arg14[%parallel_loop3A_486, %parallel_loop3A_487, %parallel_loop3A_488, %parallel_loop3A_489], %parallel_loop3A_481 {strides = array<i32>} : memref<4x13x8x128xf32, #tpu.memory_space<vmem>>, vector<16xf32>,
        %parallel_loop3A_491 = tpu.vector_load_idx %arg10[%parallel_loop3A_440] : memref<1000xf32, #tpu.memory_space<vmem>>[vector<16xi32>], vector<16xf32>,
        %parallel_loop3A_492 = arith.constant 16 : i32
        %parallel_loop3A_493 = arith.muli %parallel_loop3A_434, %parallel_loop3A_492 : i32
        %parallel_loop3A_494 = arith.constant 1 : i32
        %parallel_loop3A_495 = arith.constant 5 : i32
        %parallel_loop3A_496 = arith.index_cast %parallel_loop3A_494 : i32 to index
        %parallel_loop3A_497 = arith.index_cast %parallel_loop3A_418 : i32 to index
        %parallel_loop3A_498 = arith.index_cast %parallel_loop3A_495 : i32 to index
        %parallel_loop3A_499 = arith.index_cast %parallel_loop3A_493 : i32 to index
        %parallel_loop3A_500 = tpu.vector_load %arg14[%parallel_loop3A_496, %parallel_loop3A_497, %parallel_loop3A_498, %parallel_loop3A_499] {strides = array<i32>} : memref<4x13x8x128xf32, #tpu.memory_space<vmem>>, vector<16xf32>,
        tpu.vector_store %arg14[%parallel_loop3A_496, %parallel_loop3A_497, %parallel_loop3A_498, %parallel_loop3A_499], %parallel_loop3A_491 {strides = array<i32>} : memref<4x13x8x128xf32, #tpu.memory_space<vmem>>, vector<16xf32>,
        %parallel_loop3A_501 = tpu.vector_load_idx %arg11[%parallel_loop3A_440] : memref<1000xf32, #tpu.memory_space<vmem>>[vector<16xi32>], vector<16xf32>,
        %parallel_loop3A_502 = arith.constant 16 : i32
        %parallel_loop3A_503 = arith.muli %parallel_loop3A_434, %parallel_loop3A_502 : i32
        %parallel_loop3A_504 = arith.constant 1 : i32
        %parallel_loop3A_505 = arith.constant 6 : i32
        %parallel_loop3A_506 = arith.index_cast %parallel_loop3A_504 : i32 to index
        %parallel_loop3A_507 = arith.index_cast %parallel_loop3A_418 : i32 to index
        %parallel_loop3A_508 = arith.index_cast %parallel_loop3A_505 : i32 to index
        %parallel_loop3A_509 = arith.index_cast %parallel_loop3A_503 : i32 to index
        %parallel_loop3A_510 = tpu.vector_load %arg14[%parallel_loop3A_506, %parallel_loop3A_507, %parallel_loop3A_508, %parallel_loop3A_509] {strides = array<i32>} : memref<4x13x8x128xf32, #tpu.memory_space<vmem>>, vector<16xf32>,
        tpu.vector_store %arg14[%parallel_loop3A_506, %parallel_loop3A_507, %parallel_loop3A_508, %parallel_loop3A_509], %parallel_loop3A_501 {strides = array<i32>} : memref<4x13x8x128xf32, #tpu.memory_space<vmem>>, vector<16xf32>,
        %parallel_loop3A_511 = tpu.vector_load_idx %arg12[%parallel_loop3A_440] : memref<1000xf32, #tpu.memory_space<vmem>>[vector<16xi32>], vector<16xf32>,
        %parallel_loop3A_512 = arith.constant 16 : i32
        %parallel_loop3A_513 = arith.muli %parallel_loop3A_434, %parallel_loop3A_512 : i32
        %parallel_loop3A_514 = arith.constant 1 : i32
        %parallel_loop3A_515 = arith.constant 7 : i32
        %parallel_loop3A_516 = arith.index_cast %parallel_loop3A_514 : i32 to index
        %parallel_loop3A_517 = arith.index_cast %parallel_loop3A_418 : i32 to index
        %parallel_loop3A_518 = arith.index_cast %parallel_loop3A_515 : i32 to index
        %parallel_loop3A_519 = arith.index_cast %parallel_loop3A_513 : i32 to index
        %parallel_loop3A_520 = tpu.vector_load %arg14[%parallel_loop3A_516, %parallel_loop3A_517, %parallel_loop3A_518, %parallel_loop3A_519] {strides = array<i32>} : memref<4x13x8x128xf32, #tpu.memory_space<vmem>>, vector<16xf32>,
        tpu.vector_store %arg14[%parallel_loop3A_516, %parallel_loop3A_517, %parallel_loop3A_518, %parallel_loop3A_519], %parallel_loop3A_511 {strides = array<i32>} : memref<4x13x8x128xf32, #tpu.memory_space<vmem>>, vector<16xf32>,
      } {sc.loop_unroll_factor = 1 : i64, sc.parallel_access}
      %dma_start3A_313 = arith.constant 1 : i32
      %dma_start3A_314 = arith.constant 0 : i32
      %dma_start3A_315 = arith.constant 0 : i32
      %dma_start3A_316 = arith.constant 0 : i32
      %dma_start3A_317 = tpu.memref_slice %arg14[%dma_start3A_313, %dma_start3A_314, %dma_start3A_315, %dma_start3A_316] : memref<4x13x8x128xf32, #tpu.memory_space<vmem>> -> memref<1x13x8x128xf32, #tpu.memory_space<vmem>>
      %dma_start3A_318 = tpu.memref_squeeze %dma_start3A_317 : memref<1x13x8x128xf32, #tpu.memory_space<vmem>> -> memref<13x8x128xf32, #tpu.memory_space<vmem>>
      %dma_start3A_319 = arith.constant 0 : i32
      %dma_start3A_320 = arith.constant 0 : i32
      %dma_start3A_321 = tpu.memref_slice %arg4[%sub3A_49, %rem3A_1, %add3A_304, %dma_start3A_319, %dma_start3A_320] : memref<50x8x32x8x128xf32, #tpu.memory_space<hbm>> -> memref<13x1x1x8x128xf32, #tpu.memory_space<hbm>>
      %dma_start3A_322 = tpu.memref_squeeze %dma_start3A_321 : memref<13x1x1x8x128xf32, #tpu.memory_space<hbm>> -> memref<13x8x128xf32, #tpu.memory_space<hbm>>
      %dma_start3A_323 = arith.constant 0 : i32
      %dma_start3A_324 = arith.constant 0 : i32
      %dma_start3A_325 = tpu.memref_slice %arg4[%sub3A_49, %rem3A_1, %add3A_304, %dma_start3A_323, %dma_start3A_324] : memref<50x8x32x8x128xf32, #tpu.memory_space<hbm>> -> memref<13x1x1x8x128xf32, #tpu.memory_space<hbm>>
      %dma_start3A_326 = tpu.memref_squeeze %dma_start3A_325 : memref<13x1x1x8x128xf32, #tpu.memory_space<hbm>> -> memref<13x8x128xf32, #tpu.memory_space<hbm>>
      %dma_start3A_327 = arith.constant 0 : i32
      %dma_start3A_328 = arith.constant 0 : i32
      %dma_start3A_329 = arith.constant 0 : i32
      %dma_start3A_330 = tpu.memref_slice %arg14[%dma_start3A_313, %dma_start3A_327, %dma_start3A_328, %dma_start3A_329] : memref<4x13x8x128xf32, #tpu.memory_space<vmem>> -> memref<1x13x8x128xf32, #tpu.memory_space<vmem>>
      %dma_start3A_331 = tpu.memref_squeeze %dma_start3A_330 : memref<1x13x8x128xf32, #tpu.memory_space<vmem>> -> memref<13x8x128xf32, #tpu.memory_space<vmem>>
      tpu.enqueue_dma source(%dma_start3A_331 : memref<13x8x128xf32, #tpu.memory_space<vmem>>) target(%dma_start3A_326 : memref<13x8x128xf32, #tpu.memory_space<hbm>>) target_semaphore(%arg18 : memref<!tpu.dma_semaphore, #tpu.memory_space<semaphore_mem>>)
      %mul3A_332 = arith.constant 4 : i32
      %mul3A_333 = arith.muli %mul3A_332, %scan3A_269 : i32
      %add3A_334 = arith.constant 2 : i32
      %add3A_335 = arith.addi %mul3A_333, %add3A_334 : i32
      %gt3A_336 = arith.constant 0 : i32
      %gt3A_337 = arith.cmpi sgt, %scan3A_269, %gt3A_336 : i32
      %convert_element_type3A_338 = arith.extui %gt3A_337 : i1 to i32
      %cond3A_339 = arith.constant 0 : i32
      %cond3A_340 = arith.cmpi ne, %convert_element_type3A_338, %cond3A_339 : i32
      scf.if %cond3A_340 {
        %dma_wait3A_394 = arith.constant 2 : i32
        %dma_wait3A_395 = arith.constant 0 : i32
        %dma_wait3A_396 = arith.constant 0 : i32
        %dma_wait3A_397 = arith.constant 0 : i32
        %dma_wait3A_398 = arith.constant 0 : i32
        %dma_wait3A_399 = arith.constant 0 : i32
        %dma_wait3A_400 = tpu.memref_slice %arg14[%dma_wait3A_394, %dma_wait3A_397, %dma_wait3A_398, %dma_wait3A_399] : memref<4x13x8x128xf32, #tpu.memory_space<vmem>> -> memref<1x13x8x128xf32, #tpu.memory_space<vmem>>
        %dma_wait3A_401 = tpu.memref_squeeze %dma_wait3A_400 : memref<1x13x8x128xf32, #tpu.memory_space<vmem>> -> memref<13x8x128xf32, #tpu.memory_space<vmem>>
        %dma_wait3A_402 = arith.constant 0 : i32
        %dma_wait3A_403 = arith.constant 0 : i32
        %dma_wait3A_404 = arith.constant 0 : i32
        %dma_wait3A_405 = tpu.memref_slice %arg4[%dma_wait3A_402, %dma_wait3A_395, %dma_wait3A_396, %dma_wait3A_403, %dma_wait3A_404] : memref<50x8x32x8x128xf32, #tpu.memory_space<hbm>> -> memref<13x1x1x8x128xf32, #tpu.memory_space<hbm>>
        %dma_wait3A_406 = tpu.memref_squeeze %dma_wait3A_405 : memref<13x1x1x8x128xf32, #tpu.memory_space<hbm>> -> memref<13x8x128xf32, #tpu.memory_space<hbm>>
        %dma_wait3A_407 = arith.constant 0 : i32
        %dma_wait3A_408 = arith.constant 0 : i32
        %dma_wait3A_409 = arith.constant 0 : i32
        %dma_wait3A_410 = tpu.memref_slice %arg4[%dma_wait3A_407, %dma_wait3A_395, %dma_wait3A_396, %dma_wait3A_408, %dma_wait3A_409] : memref<50x8x32x8x128xf32, #tpu.memory_space<hbm>> -> memref<13x1x1x8x128xf32, #tpu.memory_space<hbm>>
        %dma_wait3A_411 = tpu.memref_squeeze %dma_wait3A_410 : memref<13x1x1x8x128xf32, #tpu.memory_space<hbm>> -> memref<13x8x128xf32, #tpu.memory_space<hbm>>
        %dma_wait3A_412 = arith.constant 0 : i32
        %dma_wait3A_413 = arith.constant 0 : i32
        %dma_wait3A_414 = arith.constant 0 : i32
        %dma_wait3A_415 = tpu.memref_slice %arg14[%dma_wait3A_394, %dma_wait3A_412, %dma_wait3A_413, %dma_wait3A_414] : memref<4x13x8x128xf32, #tpu.memory_space<vmem>> -> memref<1x13x8x128xf32, #tpu.memory_space<vmem>>
        %dma_wait3A_416 = tpu.memref_squeeze %dma_wait3A_415 : memref<1x13x8x128xf32, #tpu.memory_space<vmem>> -> memref<13x8x128xf32, #tpu.memory_space<vmem>>
        tpu.wait_dma2 semaphore(%arg19 : memref<!tpu.dma_semaphore, #tpu.memory_space<semaphore_mem>>) src(%dma_wait3A_416 : memref<13x8x128xf32, #tpu.memory_space<vmem>>) dst(%dma_wait3A_411 : memref<13x8x128xf32, #tpu.memory_space<hbm>>)
      } else {
      }
      %parallel_loop3A_341 = arith.constant 0 : i32
      %parallel_loop3A_342 = arith.constant 104 : i32
      %parallel_loop3A_343 = arith.constant 1 : i32
      scf.for %parallel_loop3A_394 = %parallel_loop3A_341 to %parallel_loop3A_342 step %parallel_loop3A_343  : i32 {
        %parallel_loop3A_395 = arith.constant 8 : i32
        %parallel_loop3A_396 = arith.divsi %parallel_loop3A_394, %parallel_loop3A_395 : i32
        %parallel_loop3A_397 = arith.constant 0 : i32
        %parallel_loop3A_398 = arith.cmpi sgt, %parallel_loop3A_394, %parallel_loop3A_397 : i32
        %parallel_loop3A_399 = arith.extui %parallel_loop3A_398 : i1 to i32
        %parallel_loop3A_400 = arith.constant 0 : i32
        %parallel_loop3A_401 = arith.cmpi slt, %parallel_loop3A_394, %parallel_loop3A_400 : i32
        %parallel_loop3A_402 = arith.extui %parallel_loop3A_401 : i1 to i32
        %parallel_loop3A_403 = arith.subi %parallel_loop3A_399, %parallel_loop3A_402 : i32
        %parallel_loop3A_404 = arith.constant 0 : i32
        %parallel_loop3A_405 = arith.cmpi sgt, %parallel_loop3A_395, %parallel_loop3A_404 : i32
        %parallel_loop3A_406 = arith.extui %parallel_loop3A_405 : i1 to i32
        %parallel_loop3A_407 = arith.constant 0 : i32
        %parallel_loop3A_408 = arith.cmpi slt, %parallel_loop3A_395, %parallel_loop3A_407 : i32
        %parallel_loop3A_409 = arith.extui %parallel_loop3A_408 : i1 to i32
        %parallel_loop3A_410 = arith.subi %parallel_loop3A_406, %parallel_loop3A_409 : i32
        %parallel_loop3A_411 = arith.cmpi ne, %parallel_loop3A_403, %parallel_loop3A_410 : i32
        %parallel_loop3A_412 = arith.remsi %parallel_loop3A_394, %parallel_loop3A_395 : i32
        %parallel_loop3A_413 = arith.constant 0 : i32
        %parallel_loop3A_414 = arith.cmpi ne, %parallel_loop3A_412, %parallel_loop3A_413 : i32
        %parallel_loop3A_415 = arith.andi %parallel_loop3A_411, %parallel_loop3A_414 : i1
        %parallel_loop3A_416 = arith.constant 1 : i32
        %parallel_loop3A_417 = arith.subi %parallel_loop3A_396, %parallel_loop3A_416 : i32
        %parallel_loop3A_418 = arith.select %parallel_loop3A_415, %parallel_loop3A_417, %parallel_loop3A_396 : i32
        %parallel_loop3A_419 = arith.constant 8 : i32
        %parallel_loop3A_420 = arith.constant 0 : i32
        %parallel_loop3A_421 = arith.cmpi eq, %parallel_loop3A_419, %parallel_loop3A_420 : i32
        %parallel_loop3A_422 = arith.constant 1 : i32
        %parallel_loop3A_423 = arith.select %parallel_loop3A_421, %parallel_loop3A_422, %parallel_loop3A_419 : i32
        %parallel_loop3A_424 = arith.remsi %parallel_loop3A_394, %parallel_loop3A_423 : i32
        %parallel_loop3A_425 = arith.constant 0 : i32
        %parallel_loop3A_426 = arith.cmpi ne, %parallel_loop3A_424, %parallel_loop3A_425 : i32
        %parallel_loop3A_427 = arith.constant 0 : i32
        %parallel_loop3A_428 = arith.cmpi slt, %parallel_loop3A_424, %parallel_loop3A_427 : i32
        %parallel_loop3A_429 = arith.constant 0 : i32
        %parallel_loop3A_430 = arith.cmpi slt, %parallel_loop3A_423, %parallel_loop3A_429 : i32
        %parallel_loop3A_431 = arith.xori %parallel_loop3A_428, %parallel_loop3A_430 : i1
        %parallel_loop3A_432 = arith.andi %parallel_loop3A_431, %parallel_loop3A_426 : i1
        %parallel_loop3A_433 = arith.addi %parallel_loop3A_424, %parallel_loop3A_423 : i32
        %parallel_loop3A_434 = arith.select %parallel_loop3A_432, %parallel_loop3A_433, %parallel_loop3A_424 : i32
        %parallel_loop3A_435 = arith.constant 16 : i32
        %parallel_loop3A_436 = arith.muli %parallel_loop3A_434, %parallel_loop3A_435 : i32
        %parallel_loop3A_437 = arith.index_cast %add3A_335 : i32 to index
        %parallel_loop3A_438 = arith.index_cast %parallel_loop3A_418 : i32 to index
        %parallel_loop3A_439 = arith.index_cast %parallel_loop3A_436 : i32 to index
        %parallel_loop3A_440 = tpu.vector_load %arg13[%parallel_loop3A_437, %parallel_loop3A_438, %parallel_loop3A_439] {strides = array<i32>} : memref<32x13x128xi32, #tpu.memory_space<vmem>>, vector<16xi32>,
        %parallel_loop3A_441 = tpu.vector_load_idx %arg5[%parallel_loop3A_440] : memref<1000xf32, #tpu.memory_space<vmem>>[vector<16xi32>], vector<16xf32>,
        %parallel_loop3A_442 = arith.constant 16 : i32
        %parallel_loop3A_443 = arith.muli %parallel_loop3A_434, %parallel_loop3A_442 : i32
        %parallel_loop3A_444 = arith.constant 2 : i32
        %parallel_loop3A_445 = arith.constant 0 : i32
        %parallel_loop3A_446 = arith.index_cast %parallel_loop3A_444 : i32 to index
        %parallel_loop3A_447 = arith.index_cast %parallel_loop3A_418 : i32 to index
        %parallel_loop3A_448 = arith.index_cast %parallel_loop3A_445 : i32 to index
        %parallel_loop3A_449 = arith.index_cast %parallel_loop3A_443 : i32 to index
        %parallel_loop3A_450 = tpu.vector_load %arg14[%parallel_loop3A_446, %parallel_loop3A_447, %parallel_loop3A_448, %parallel_loop3A_449] {strides = array<i32>} : memref<4x13x8x128xf32, #tpu.memory_space<vmem>>, vector<16xf32>,
        tpu.vector_store %arg14[%parallel_loop3A_446, %parallel_loop3A_447, %parallel_loop3A_448, %parallel_loop3A_449], %parallel_loop3A_441 {strides = array<i32>} : memref<4x13x8x128xf32, #tpu.memory_space<vmem>>, vector<16xf32>,
        %parallel_loop3A_451 = tpu.vector_load_idx %arg6[%parallel_loop3A_440] : memref<1000xf32, #tpu.memory_space<vmem>>[vector<16xi32>], vector<16xf32>,
        %parallel_loop3A_452 = arith.constant 16 : i32
        %parallel_loop3A_453 = arith.muli %parallel_loop3A_434, %parallel_loop3A_452 : i32
        %parallel_loop3A_454 = arith.constant 2 : i32
        %parallel_loop3A_455 = arith.constant 1 : i32
        %parallel_loop3A_456 = arith.index_cast %parallel_loop3A_454 : i32 to index
        %parallel_loop3A_457 = arith.index_cast %parallel_loop3A_418 : i32 to index
        %parallel_loop3A_458 = arith.index_cast %parallel_loop3A_455 : i32 to index
        %parallel_loop3A_459 = arith.index_cast %parallel_loop3A_453 : i32 to index
        %parallel_loop3A_460 = tpu.vector_load %arg14[%parallel_loop3A_456, %parallel_loop3A_457, %parallel_loop3A_458, %parallel_loop3A_459] {strides = array<i32>} : memref<4x13x8x128xf32, #tpu.memory_space<vmem>>, vector<16xf32>,
        tpu.vector_store %arg14[%parallel_loop3A_456, %parallel_loop3A_457, %parallel_loop3A_458, %parallel_loop3A_459], %parallel_loop3A_451 {strides = array<i32>} : memref<4x13x8x128xf32, #tpu.memory_space<vmem>>, vector<16xf32>,
        %parallel_loop3A_461 = tpu.vector_load_idx %arg7[%parallel_loop3A_440] : memref<1000xf32, #tpu.memory_space<vmem>>[vector<16xi32>], vector<16xf32>,
        %parallel_loop3A_462 = arith.constant 16 : i32
        %parallel_loop3A_463 = arith.muli %parallel_loop3A_434, %parallel_loop3A_462 : i32
        %parallel_loop3A_464 = arith.constant 2 : i32
        %parallel_loop3A_465 = arith.constant 2 : i32
        %parallel_loop3A_466 = arith.index_cast %parallel_loop3A_464 : i32 to index
        %parallel_loop3A_467 = arith.index_cast %parallel_loop3A_418 : i32 to index
        %parallel_loop3A_468 = arith.index_cast %parallel_loop3A_465 : i32 to index
        %parallel_loop3A_469 = arith.index_cast %parallel_loop3A_463 : i32 to index
        %parallel_loop3A_470 = tpu.vector_load %arg14[%parallel_loop3A_466, %parallel_loop3A_467, %parallel_loop3A_468, %parallel_loop3A_469] {strides = array<i32>} : memref<4x13x8x128xf32, #tpu.memory_space<vmem>>, vector<16xf32>,
        tpu.vector_store %arg14[%parallel_loop3A_466, %parallel_loop3A_467, %parallel_loop3A_468, %parallel_loop3A_469], %parallel_loop3A_461 {strides = array<i32>} : memref<4x13x8x128xf32, #tpu.memory_space<vmem>>, vector<16xf32>,
        %parallel_loop3A_471 = tpu.vector_load_idx %arg8[%parallel_loop3A_440] : memref<1000xf32, #tpu.memory_space<vmem>>[vector<16xi32>], vector<16xf32>,
        %parallel_loop3A_472 = arith.constant 16 : i32
        %parallel_loop3A_473 = arith.muli %parallel_loop3A_434, %parallel_loop3A_472 : i32
        %parallel_loop3A_474 = arith.constant 2 : i32
        %parallel_loop3A_475 = arith.constant 3 : i32
        %parallel_loop3A_476 = arith.index_cast %parallel_loop3A_474 : i32 to index
        %parallel_loop3A_477 = arith.index_cast %parallel_loop3A_418 : i32 to index
        %parallel_loop3A_478 = arith.index_cast %parallel_loop3A_475 : i32 to index
        %parallel_loop3A_479 = arith.index_cast %parallel_loop3A_473 : i32 to index
        %parallel_loop3A_480 = tpu.vector_load %arg14[%parallel_loop3A_476, %parallel_loop3A_477, %parallel_loop3A_478, %parallel_loop3A_479] {strides = array<i32>} : memref<4x13x8x128xf32, #tpu.memory_space<vmem>>, vector<16xf32>,
        tpu.vector_store %arg14[%parallel_loop3A_476, %parallel_loop3A_477, %parallel_loop3A_478, %parallel_loop3A_479], %parallel_loop3A_471 {strides = array<i32>} : memref<4x13x8x128xf32, #tpu.memory_space<vmem>>, vector<16xf32>,
        %parallel_loop3A_481 = tpu.vector_load_idx %arg9[%parallel_loop3A_440] : memref<1000xf32, #tpu.memory_space<vmem>>[vector<16xi32>], vector<16xf32>,
        %parallel_loop3A_482 = arith.constant 16 : i32
        %parallel_loop3A_483 = arith.muli %parallel_loop3A_434, %parallel_loop3A_482 : i32
        %parallel_loop3A_484 = arith.constant 2 : i32
        %parallel_loop3A_485 = arith.constant 4 : i32
        %parallel_loop3A_486 = arith.index_cast %parallel_loop3A_484 : i32 to index
        %parallel_loop3A_487 = arith.index_cast %parallel_loop3A_418 : i32 to index
        %parallel_loop3A_488 = arith.index_cast %parallel_loop3A_485 : i32 to index
        %parallel_loop3A_489 = arith.index_cast %parallel_loop3A_483 : i32 to index
        %parallel_loop3A_490 = tpu.vector_load %arg14[%parallel_loop3A_486, %parallel_loop3A_487, %parallel_loop3A_488, %parallel_loop3A_489] {strides = array<i32>} : memref<4x13x8x128xf32, #tpu.memory_space<vmem>>, vector<16xf32>,
        tpu.vector_store %arg14[%parallel_loop3A_486, %parallel_loop3A_487, %parallel_loop3A_488, %parallel_loop3A_489], %parallel_loop3A_481 {strides = array<i32>} : memref<4x13x8x128xf32, #tpu.memory_space<vmem>>, vector<16xf32>,
        %parallel_loop3A_491 = tpu.vector_load_idx %arg10[%parallel_loop3A_440] : memref<1000xf32, #tpu.memory_space<vmem>>[vector<16xi32>], vector<16xf32>,
        %parallel_loop3A_492 = arith.constant 16 : i32
        %parallel_loop3A_493 = arith.muli %parallel_loop3A_434, %parallel_loop3A_492 : i32
        %parallel_loop3A_494 = arith.constant 2 : i32
        %parallel_loop3A_495 = arith.constant 5 : i32
        %parallel_loop3A_496 = arith.index_cast %parallel_loop3A_494 : i32 to index
        %parallel_loop3A_497 = arith.index_cast %parallel_loop3A_418 : i32 to index
        %parallel_loop3A_498 = arith.index_cast %parallel_loop3A_495 : i32 to index
        %parallel_loop3A_499 = arith.index_cast %parallel_loop3A_493 : i32 to index
        %parallel_loop3A_500 = tpu.vector_load %arg14[%parallel_loop3A_496, %parallel_loop3A_497, %parallel_loop3A_498, %parallel_loop3A_499] {strides = array<i32>} : memref<4x13x8x128xf32, #tpu.memory_space<vmem>>, vector<16xf32>,
        tpu.vector_store %arg14[%parallel_loop3A_496, %parallel_loop3A_497, %parallel_loop3A_498, %parallel_loop3A_499], %parallel_loop3A_491 {strides = array<i32>} : memref<4x13x8x128xf32, #tpu.memory_space<vmem>>, vector<16xf32>,
        %parallel_loop3A_501 = tpu.vector_load_idx %arg11[%parallel_loop3A_440] : memref<1000xf32, #tpu.memory_space<vmem>>[vector<16xi32>], vector<16xf32>,
        %parallel_loop3A_502 = arith.constant 16 : i32
        %parallel_loop3A_503 = arith.muli %parallel_loop3A_434, %parallel_loop3A_502 : i32
        %parallel_loop3A_504 = arith.constant 2 : i32
        %parallel_loop3A_505 = arith.constant 6 : i32
        %parallel_loop3A_506 = arith.index_cast %parallel_loop3A_504 : i32 to index
        %parallel_loop3A_507 = arith.index_cast %parallel_loop3A_418 : i32 to index
        %parallel_loop3A_508 = arith.index_cast %parallel_loop3A_505 : i32 to index
        %parallel_loop3A_509 = arith.index_cast %parallel_loop3A_503 : i32 to index
        %parallel_loop3A_510 = tpu.vector_load %arg14[%parallel_loop3A_506, %parallel_loop3A_507, %parallel_loop3A_508, %parallel_loop3A_509] {strides = array<i32>} : memref<4x13x8x128xf32, #tpu.memory_space<vmem>>, vector<16xf32>,
        tpu.vector_store %arg14[%parallel_loop3A_506, %parallel_loop3A_507, %parallel_loop3A_508, %parallel_loop3A_509], %parallel_loop3A_501 {strides = array<i32>} : memref<4x13x8x128xf32, #tpu.memory_space<vmem>>, vector<16xf32>,
        %parallel_loop3A_511 = tpu.vector_load_idx %arg12[%parallel_loop3A_440] : memref<1000xf32, #tpu.memory_space<vmem>>[vector<16xi32>], vector<16xf32>,
        %parallel_loop3A_512 = arith.constant 16 : i32
        %parallel_loop3A_513 = arith.muli %parallel_loop3A_434, %parallel_loop3A_512 : i32
        %parallel_loop3A_514 = arith.constant 2 : i32
        %parallel_loop3A_515 = arith.constant 7 : i32
        %parallel_loop3A_516 = arith.index_cast %parallel_loop3A_514 : i32 to index
        %parallel_loop3A_517 = arith.index_cast %parallel_loop3A_418 : i32 to index
        %parallel_loop3A_518 = arith.index_cast %parallel_loop3A_515 : i32 to index
        %parallel_loop3A_519 = arith.index_cast %parallel_loop3A_513 : i32 to index
        %parallel_loop3A_520 = tpu.vector_load %arg14[%parallel_loop3A_516, %parallel_loop3A_517, %parallel_loop3A_518, %parallel_loop3A_519] {strides = array<i32>} : memref<4x13x8x128xf32, #tpu.memory_space<vmem>>, vector<16xf32>,
        tpu.vector_store %arg14[%parallel_loop3A_516, %parallel_loop3A_517, %parallel_loop3A_518, %parallel_loop3A_519], %parallel_loop3A_511 {strides = array<i32>} : memref<4x13x8x128xf32, #tpu.memory_space<vmem>>, vector<16xf32>,
      } {sc.loop_unroll_factor = 1 : i64, sc.parallel_access}
      %dma_start3A_344 = arith.constant 2 : i32
      %dma_start3A_345 = arith.constant 0 : i32
      %dma_start3A_346 = arith.constant 0 : i32
      %dma_start3A_347 = arith.constant 0 : i32
      %dma_start3A_348 = tpu.memref_slice %arg14[%dma_start3A_344, %dma_start3A_345, %dma_start3A_346, %dma_start3A_347] : memref<4x13x8x128xf32, #tpu.memory_space<vmem>> -> memref<1x13x8x128xf32, #tpu.memory_space<vmem>>
      %dma_start3A_349 = tpu.memref_squeeze %dma_start3A_348 : memref<1x13x8x128xf32, #tpu.memory_space<vmem>> -> memref<13x8x128xf32, #tpu.memory_space<vmem>>
      %dma_start3A_350 = arith.constant 0 : i32
      %dma_start3A_351 = arith.constant 0 : i32
      %dma_start3A_352 = tpu.memref_slice %arg4[%sub3A_49, %rem3A_1, %add3A_335, %dma_start3A_350, %dma_start3A_351] : memref<50x8x32x8x128xf32, #tpu.memory_space<hbm>> -> memref<13x1x1x8x128xf32, #tpu.memory_space<hbm>>
      %dma_start3A_353 = tpu.memref_squeeze %dma_start3A_352 : memref<13x1x1x8x128xf32, #tpu.memory_space<hbm>> -> memref<13x8x128xf32, #tpu.memory_space<hbm>>
      %dma_start3A_354 = arith.constant 0 : i32
      %dma_start3A_355 = arith.constant 0 : i32
      %dma_start3A_356 = tpu.memref_slice %arg4[%sub3A_49, %rem3A_1, %add3A_335, %dma_start3A_354, %dma_start3A_355] : memref<50x8x32x8x128xf32, #tpu.memory_space<hbm>> -> memref<13x1x1x8x128xf32, #tpu.memory_space<hbm>>
      %dma_start3A_357 = tpu.memref_squeeze %dma_start3A_356 : memref<13x1x1x8x128xf32, #tpu.memory_space<hbm>> -> memref<13x8x128xf32, #tpu.memory_space<hbm>>
      %dma_start3A_358 = arith.constant 0 : i32
      %dma_start3A_359 = arith.constant 0 : i32
      %dma_start3A_360 = arith.constant 0 : i32
      %dma_start3A_361 = tpu.memref_slice %arg14[%dma_start3A_344, %dma_start3A_358, %dma_start3A_359, %dma_start3A_360] : memref<4x13x8x128xf32, #tpu.memory_space<vmem>> -> memref<1x13x8x128xf32, #tpu.memory_space<vmem>>
      %dma_start3A_362 = tpu.memref_squeeze %dma_start3A_361 : memref<1x13x8x128xf32, #tpu.memory_space<vmem>> -> memref<13x8x128xf32, #tpu.memory_space<vmem>>
      tpu.enqueue_dma source(%dma_start3A_362 : memref<13x8x128xf32, #tpu.memory_space<vmem>>) target(%dma_start3A_357 : memref<13x8x128xf32, #tpu.memory_space<hbm>>) target_semaphore(%arg19 : memref<!tpu.dma_semaphore, #tpu.memory_space<semaphore_mem>>)
      %mul3A_363 = arith.constant 4 : i32
      %mul3A_364 = arith.muli %mul3A_363, %scan3A_269 : i32
      %add3A_365 = arith.constant 3 : i32
      %add3A_366 = arith.addi %mul3A_364, %add3A_365 : i32
      %gt3A_367 = arith.constant 0 : i32
      %gt3A_368 = arith.cmpi sgt, %scan3A_269, %gt3A_367 : i32
      %convert_element_type3A_369 = arith.extui %gt3A_368 : i1 to i32
      %cond3A_370 = arith.constant 0 : i32
      %cond3A_371 = arith.cmpi ne, %convert_element_type3A_369, %cond3A_370 : i32
      scf.if %cond3A_371 {
        %dma_wait3A_394 = arith.constant 3 : i32
        %dma_wait3A_395 = arith.constant 0 : i32
        %dma_wait3A_396 = arith.constant 0 : i32
        %dma_wait3A_397 = arith.constant 0 : i32
        %dma_wait3A_398 = arith.constant 0 : i32
        %dma_wait3A_399 = arith.constant 0 : i32
        %dma_wait3A_400 = tpu.memref_slice %arg14[%dma_wait3A_394, %dma_wait3A_397, %dma_wait3A_398, %dma_wait3A_399] : memref<4x13x8x128xf32, #tpu.memory_space<vmem>> -> memref<1x13x8x128xf32, #tpu.memory_space<vmem>>
        %dma_wait3A_401 = tpu.memref_squeeze %dma_wait3A_400 : memref<1x13x8x128xf32, #tpu.memory_space<vmem>> -> memref<13x8x128xf32, #tpu.memory_space<vmem>>
        %dma_wait3A_402 = arith.constant 0 : i32
        %dma_wait3A_403 = arith.constant 0 : i32
        %dma_wait3A_404 = arith.constant 0 : i32
        %dma_wait3A_405 = tpu.memref_slice %arg4[%dma_wait3A_402, %dma_wait3A_395, %dma_wait3A_396, %dma_wait3A_403, %dma_wait3A_404] : memref<50x8x32x8x128xf32, #tpu.memory_space<hbm>> -> memref<13x1x1x8x128xf32, #tpu.memory_space<hbm>>
        %dma_wait3A_406 = tpu.memref_squeeze %dma_wait3A_405 : memref<13x1x1x8x128xf32, #tpu.memory_space<hbm>> -> memref<13x8x128xf32, #tpu.memory_space<hbm>>
        %dma_wait3A_407 = arith.constant 0 : i32
        %dma_wait3A_408 = arith.constant 0 : i32
        %dma_wait3A_409 = arith.constant 0 : i32
        %dma_wait3A_410 = tpu.memref_slice %arg4[%dma_wait3A_407, %dma_wait3A_395, %dma_wait3A_396, %dma_wait3A_408, %dma_wait3A_409] : memref<50x8x32x8x128xf32, #tpu.memory_space<hbm>> -> memref<13x1x1x8x128xf32, #tpu.memory_space<hbm>>
        %dma_wait3A_411 = tpu.memref_squeeze %dma_wait3A_410 : memref<13x1x1x8x128xf32, #tpu.memory_space<hbm>> -> memref<13x8x128xf32, #tpu.memory_space<hbm>>
        %dma_wait3A_412 = arith.constant 0 : i32
        %dma_wait3A_413 = arith.constant 0 : i32
        %dma_wait3A_414 = arith.constant 0 : i32
        %dma_wait3A_415 = tpu.memref_slice %arg14[%dma_wait3A_394, %dma_wait3A_412, %dma_wait3A_413, %dma_wait3A_414] : memref<4x13x8x128xf32, #tpu.memory_space<vmem>> -> memref<1x13x8x128xf32, #tpu.memory_space<vmem>>
        %dma_wait3A_416 = tpu.memref_squeeze %dma_wait3A_415 : memref<1x13x8x128xf32, #tpu.memory_space<vmem>> -> memref<13x8x128xf32, #tpu.memory_space<vmem>>
        tpu.wait_dma2 semaphore(%arg20 : memref<!tpu.dma_semaphore, #tpu.memory_space<semaphore_mem>>) src(%dma_wait3A_416 : memref<13x8x128xf32, #tpu.memory_space<vmem>>) dst(%dma_wait3A_411 : memref<13x8x128xf32, #tpu.memory_space<hbm>>)
      } else {
      }
      %parallel_loop3A_372 = arith.constant 0 : i32
      %parallel_loop3A_373 = arith.constant 104 : i32
      %parallel_loop3A_374 = arith.constant 1 : i32
      scf.for %parallel_loop3A_394 = %parallel_loop3A_372 to %parallel_loop3A_373 step %parallel_loop3A_374  : i32 {
        %parallel_loop3A_395 = arith.constant 8 : i32
        %parallel_loop3A_396 = arith.divsi %parallel_loop3A_394, %parallel_loop3A_395 : i32
        %parallel_loop3A_397 = arith.constant 0 : i32
        %parallel_loop3A_398 = arith.cmpi sgt, %parallel_loop3A_394, %parallel_loop3A_397 : i32
        %parallel_loop3A_399 = arith.extui %parallel_loop3A_398 : i1 to i32
        %parallel_loop3A_400 = arith.constant 0 : i32
        %parallel_loop3A_401 = arith.cmpi slt, %parallel_loop3A_394, %parallel_loop3A_400 : i32
        %parallel_loop3A_402 = arith.extui %parallel_loop3A_401 : i1 to i32
        %parallel_loop3A_403 = arith.subi %parallel_loop3A_399, %parallel_loop3A_402 : i32
        %parallel_loop3A_404 = arith.constant 0 : i32
        %parallel_loop3A_405 = arith.cmpi sgt, %parallel_loop3A_395, %parallel_loop3A_404 : i32
        %parallel_loop3A_406 = arith.extui %parallel_loop3A_405 : i1 to i32
        %parallel_loop3A_407 = arith.constant 0 : i32
        %parallel_loop3A_408 = arith.cmpi slt, %parallel_loop3A_395, %parallel_loop3A_407 : i32
        %parallel_loop3A_409 = arith.extui %parallel_loop3A_408 : i1 to i32
        %parallel_loop3A_410 = arith.subi %parallel_loop3A_406, %parallel_loop3A_409 : i32
        %parallel_loop3A_411 = arith.cmpi ne, %parallel_loop3A_403, %parallel_loop3A_410 : i32
        %parallel_loop3A_412 = arith.remsi %parallel_loop3A_394, %parallel_loop3A_395 : i32
        %parallel_loop3A_413 = arith.constant 0 : i32
        %parallel_loop3A_414 = arith.cmpi ne, %parallel_loop3A_412, %parallel_loop3A_413 : i32
        %parallel_loop3A_415 = arith.andi %parallel_loop3A_411, %parallel_loop3A_414 : i1
        %parallel_loop3A_416 = arith.constant 1 : i32
        %parallel_loop3A_417 = arith.subi %parallel_loop3A_396, %parallel_loop3A_416 : i32
        %parallel_loop3A_418 = arith.select %parallel_loop3A_415, %parallel_loop3A_417, %parallel_loop3A_396 : i32
        %parallel_loop3A_419 = arith.constant 8 : i32
        %parallel_loop3A_420 = arith.constant 0 : i32
        %parallel_loop3A_421 = arith.cmpi eq, %parallel_loop3A_419, %parallel_loop3A_420 : i32
        %parallel_loop3A_422 = arith.constant 1 : i32
        %parallel_loop3A_423 = arith.select %parallel_loop3A_421, %parallel_loop3A_422, %parallel_loop3A_419 : i32
        %parallel_loop3A_424 = arith.remsi %parallel_loop3A_394, %parallel_loop3A_423 : i32
        %parallel_loop3A_425 = arith.constant 0 : i32
        %parallel_loop3A_426 = arith.cmpi ne, %parallel_loop3A_424, %parallel_loop3A_425 : i32
        %parallel_loop3A_427 = arith.constant 0 : i32
        %parallel_loop3A_428 = arith.cmpi slt, %parallel_loop3A_424, %parallel_loop3A_427 : i32
        %parallel_loop3A_429 = arith.constant 0 : i32
        %parallel_loop3A_430 = arith.cmpi slt, %parallel_loop3A_423, %parallel_loop3A_429 : i32
        %parallel_loop3A_431 = arith.xori %parallel_loop3A_428, %parallel_loop3A_430 : i1
        %parallel_loop3A_432 = arith.andi %parallel_loop3A_431, %parallel_loop3A_426 : i1
        %parallel_loop3A_433 = arith.addi %parallel_loop3A_424, %parallel_loop3A_423 : i32
        %parallel_loop3A_434 = arith.select %parallel_loop3A_432, %parallel_loop3A_433, %parallel_loop3A_424 : i32
        %parallel_loop3A_435 = arith.constant 16 : i32
        %parallel_loop3A_436 = arith.muli %parallel_loop3A_434, %parallel_loop3A_435 : i32
        %parallel_loop3A_437 = arith.index_cast %add3A_366 : i32 to index
        %parallel_loop3A_438 = arith.index_cast %parallel_loop3A_418 : i32 to index
        %parallel_loop3A_439 = arith.index_cast %parallel_loop3A_436 : i32 to index
        %parallel_loop3A_440 = tpu.vector_load %arg13[%parallel_loop3A_437, %parallel_loop3A_438, %parallel_loop3A_439] {strides = array<i32>} : memref<32x13x128xi32, #tpu.memory_space<vmem>>, vector<16xi32>,
        %parallel_loop3A_441 = tpu.vector_load_idx %arg5[%parallel_loop3A_440] : memref<1000xf32, #tpu.memory_space<vmem>>[vector<16xi32>], vector<16xf32>,
        %parallel_loop3A_442 = arith.constant 16 : i32
        %parallel_loop3A_443 = arith.muli %parallel_loop3A_434, %parallel_loop3A_442 : i32
        %parallel_loop3A_444 = arith.constant 3 : i32
        %parallel_loop3A_445 = arith.constant 0 : i32
        %parallel_loop3A_446 = arith.index_cast %parallel_loop3A_444 : i32 to index
        %parallel_loop3A_447 = arith.index_cast %parallel_loop3A_418 : i32 to index
        %parallel_loop3A_448 = arith.index_cast %parallel_loop3A_445 : i32 to index
        %parallel_loop3A_449 = arith.index_cast %parallel_loop3A_443 : i32 to index
        %parallel_loop3A_450 = tpu.vector_load %arg14[%parallel_loop3A_446, %parallel_loop3A_447, %parallel_loop3A_448, %parallel_loop3A_449] {strides = array<i32>} : memref<4x13x8x128xf32, #tpu.memory_space<vmem>>, vector<16xf32>,
        tpu.vector_store %arg14[%parallel_loop3A_446, %parallel_loop3A_447, %parallel_loop3A_448, %parallel_loop3A_449], %parallel_loop3A_441 {strides = array<i32>} : memref<4x13x8x128xf32, #tpu.memory_space<vmem>>, vector<16xf32>,
        %parallel_loop3A_451 = tpu.vector_load_idx %arg6[%parallel_loop3A_440] : memref<1000xf32, #tpu.memory_space<vmem>>[vector<16xi32>], vector<16xf32>,
        %parallel_loop3A_452 = arith.constant 16 : i32
        %parallel_loop3A_453 = arith.muli %parallel_loop3A_434, %parallel_loop3A_452 : i32
        %parallel_loop3A_454 = arith.constant 3 : i32
        %parallel_loop3A_455 = arith.constant 1 : i32
        %parallel_loop3A_456 = arith.index_cast %parallel_loop3A_454 : i32 to index
        %parallel_loop3A_457 = arith.index_cast %parallel_loop3A_418 : i32 to index
        %parallel_loop3A_458 = arith.index_cast %parallel_loop3A_455 : i32 to index
        %parallel_loop3A_459 = arith.index_cast %parallel_loop3A_453 : i32 to index
        %parallel_loop3A_460 = tpu.vector_load %arg14[%parallel_loop3A_456, %parallel_loop3A_457, %parallel_loop3A_458, %parallel_loop3A_459] {strides = array<i32>} : memref<4x13x8x128xf32, #tpu.memory_space<vmem>>, vector<16xf32>,
        tpu.vector_store %arg14[%parallel_loop3A_456, %parallel_loop3A_457, %parallel_loop3A_458, %parallel_loop3A_459], %parallel_loop3A_451 {strides = array<i32>} : memref<4x13x8x128xf32, #tpu.memory_space<vmem>>, vector<16xf32>,
        %parallel_loop3A_461 = tpu.vector_load_idx %arg7[%parallel_loop3A_440] : memref<1000xf32, #tpu.memory_space<vmem>>[vector<16xi32>], vector<16xf32>,
        %parallel_loop3A_462 = arith.constant 16 : i32
        %parallel_loop3A_463 = arith.muli %parallel_loop3A_434, %parallel_loop3A_462 : i32
        %parallel_loop3A_464 = arith.constant 3 : i32
        %parallel_loop3A_465 = arith.constant 2 : i32
        %parallel_loop3A_466 = arith.index_cast %parallel_loop3A_464 : i32 to index
        %parallel_loop3A_467 = arith.index_cast %parallel_loop3A_418 : i32 to index
        %parallel_loop3A_468 = arith.index_cast %parallel_loop3A_465 : i32 to index
        %parallel_loop3A_469 = arith.index_cast %parallel_loop3A_463 : i32 to index
        %parallel_loop3A_470 = tpu.vector_load %arg14[%parallel_loop3A_466, %parallel_loop3A_467, %parallel_loop3A_468, %parallel_loop3A_469] {strides = array<i32>} : memref<4x13x8x128xf32, #tpu.memory_space<vmem>>, vector<16xf32>,
        tpu.vector_store %arg14[%parallel_loop3A_466, %parallel_loop3A_467, %parallel_loop3A_468, %parallel_loop3A_469], %parallel_loop3A_461 {strides = array<i32>} : memref<4x13x8x128xf32, #tpu.memory_space<vmem>>, vector<16xf32>,
        %parallel_loop3A_471 = tpu.vector_load_idx %arg8[%parallel_loop3A_440] : memref<1000xf32, #tpu.memory_space<vmem>>[vector<16xi32>], vector<16xf32>,
        %parallel_loop3A_472 = arith.constant 16 : i32
        %parallel_loop3A_473 = arith.muli %parallel_loop3A_434, %parallel_loop3A_472 : i32
        %parallel_loop3A_474 = arith.constant 3 : i32
        %parallel_loop3A_475 = arith.constant 3 : i32
        %parallel_loop3A_476 = arith.index_cast %parallel_loop3A_474 : i32 to index
        %parallel_loop3A_477 = arith.index_cast %parallel_loop3A_418 : i32 to index
        %parallel_loop3A_478 = arith.index_cast %parallel_loop3A_475 : i32 to index
        %parallel_loop3A_479 = arith.index_cast %parallel_loop3A_473 : i32 to index
        %parallel_loop3A_480 = tpu.vector_load %arg14[%parallel_loop3A_476, %parallel_loop3A_477, %parallel_loop3A_478, %parallel_loop3A_479] {strides = array<i32>} : memref<4x13x8x128xf32, #tpu.memory_space<vmem>>, vector<16xf32>,
        tpu.vector_store %arg14[%parallel_loop3A_476, %parallel_loop3A_477, %parallel_loop3A_478, %parallel_loop3A_479], %parallel_loop3A_471 {strides = array<i32>} : memref<4x13x8x128xf32, #tpu.memory_space<vmem>>, vector<16xf32>,
        %parallel_loop3A_481 = tpu.vector_load_idx %arg9[%parallel_loop3A_440] : memref<1000xf32, #tpu.memory_space<vmem>>[vector<16xi32>], vector<16xf32>,
        %parallel_loop3A_482 = arith.constant 16 : i32
        %parallel_loop3A_483 = arith.muli %parallel_loop3A_434, %parallel_loop3A_482 : i32
        %parallel_loop3A_484 = arith.constant 3 : i32
        %parallel_loop3A_485 = arith.constant 4 : i32
        %parallel_loop3A_486 = arith.index_cast %parallel_loop3A_484 : i32 to index
        %parallel_loop3A_487 = arith.index_cast %parallel_loop3A_418 : i32 to index
        %parallel_loop3A_488 = arith.index_cast %parallel_loop3A_485 : i32 to index
        %parallel_loop3A_489 = arith.index_cast %parallel_loop3A_483 : i32 to index
        %parallel_loop3A_490 = tpu.vector_load %arg14[%parallel_loop3A_486, %parallel_loop3A_487, %parallel_loop3A_488, %parallel_loop3A_489] {strides = array<i32>} : memref<4x13x8x128xf32, #tpu.memory_space<vmem>>, vector<16xf32>,
        tpu.vector_store %arg14[%parallel_loop3A_486, %parallel_loop3A_487, %parallel_loop3A_488, %parallel_loop3A_489], %parallel_loop3A_481 {strides = array<i32>} : memref<4x13x8x128xf32, #tpu.memory_space<vmem>>, vector<16xf32>,
        %parallel_loop3A_491 = tpu.vector_load_idx %arg10[%parallel_loop3A_440] : memref<1000xf32, #tpu.memory_space<vmem>>[vector<16xi32>], vector<16xf32>,
        %parallel_loop3A_492 = arith.constant 16 : i32
        %parallel_loop3A_493 = arith.muli %parallel_loop3A_434, %parallel_loop3A_492 : i32
        %parallel_loop3A_494 = arith.constant 3 : i32
        %parallel_loop3A_495 = arith.constant 5 : i32
        %parallel_loop3A_496 = arith.index_cast %parallel_loop3A_494 : i32 to index
        %parallel_loop3A_497 = arith.index_cast %parallel_loop3A_418 : i32 to index
        %parallel_loop3A_498 = arith.index_cast %parallel_loop3A_495 : i32 to index
        %parallel_loop3A_499 = arith.index_cast %parallel_loop3A_493 : i32 to index
        %parallel_loop3A_500 = tpu.vector_load %arg14[%parallel_loop3A_496, %parallel_loop3A_497, %parallel_loop3A_498, %parallel_loop3A_499] {strides = array<i32>} : memref<4x13x8x128xf32, #tpu.memory_space<vmem>>, vector<16xf32>,
        tpu.vector_store %arg14[%parallel_loop3A_496, %parallel_loop3A_497, %parallel_loop3A_498, %parallel_loop3A_499], %parallel_loop3A_491 {strides = array<i32>} : memref<4x13x8x128xf32, #tpu.memory_space<vmem>>, vector<16xf32>,
        %parallel_loop3A_501 = tpu.vector_load_idx %arg11[%parallel_loop3A_440] : memref<1000xf32, #tpu.memory_space<vmem>>[vector<16xi32>], vector<16xf32>,
        %parallel_loop3A_502 = arith.constant 16 : i32
        %parallel_loop3A_503 = arith.muli %parallel_loop3A_434, %parallel_loop3A_502 : i32
        %parallel_loop3A_504 = arith.constant 3 : i32
        %parallel_loop3A_505 = arith.constant 6 : i32
        %parallel_loop3A_506 = arith.index_cast %parallel_loop3A_504 : i32 to index
        %parallel_loop3A_507 = arith.index_cast %parallel_loop3A_418 : i32 to index
        %parallel_loop3A_508 = arith.index_cast %parallel_loop3A_505 : i32 to index
        %parallel_loop3A_509 = arith.index_cast %parallel_loop3A_503 : i32 to index
        %parallel_loop3A_510 = tpu.vector_load %arg14[%parallel_loop3A_506, %parallel_loop3A_507, %parallel_loop3A_508, %parallel_loop3A_509] {strides = array<i32>} : memref<4x13x8x128xf32, #tpu.memory_space<vmem>>, vector<16xf32>,
        tpu.vector_store %arg14[%parallel_loop3A_506, %parallel_loop3A_507, %parallel_loop3A_508, %parallel_loop3A_509], %parallel_loop3A_501 {strides = array<i32>} : memref<4x13x8x128xf32, #tpu.memory_space<vmem>>, vector<16xf32>,
        %parallel_loop3A_511 = tpu.vector_load_idx %arg12[%parallel_loop3A_440] : memref<1000xf32, #tpu.memory_space<vmem>>[vector<16xi32>], vector<16xf32>,
        %parallel_loop3A_512 = arith.constant 16 : i32
        %parallel_loop3A_513 = arith.muli %parallel_loop3A_434, %parallel_loop3A_512 : i32
        %parallel_loop3A_514 = arith.constant 3 : i32
        %parallel_loop3A_515 = arith.constant 7 : i32
        %parallel_loop3A_516 = arith.index_cast %parallel_loop3A_514 : i32 to index
        %parallel_loop3A_517 = arith.index_cast %parallel_loop3A_418 : i32 to index
        %parallel_loop3A_518 = arith.index_cast %parallel_loop3A_515 : i32 to index
        %parallel_loop3A_519 = arith.index_cast %parallel_loop3A_513 : i32 to index
        %parallel_loop3A_520 = tpu.vector_load %arg14[%parallel_loop3A_516, %parallel_loop3A_517, %parallel_loop3A_518, %parallel_loop3A_519] {strides = array<i32>} : memref<4x13x8x128xf32, #tpu.memory_space<vmem>>, vector<16xf32>,
        tpu.vector_store %arg14[%parallel_loop3A_516, %parallel_loop3A_517, %parallel_loop3A_518, %parallel_loop3A_519], %parallel_loop3A_511 {strides = array<i32>} : memref<4x13x8x128xf32, #tpu.memory_space<vmem>>, vector<16xf32>,
      } {sc.loop_unroll_factor = 1 : i64, sc.parallel_access}
      %dma_start3A_375 = arith.constant 3 : i32
      %dma_start3A_376 = arith.constant 0 : i32
      %dma_start3A_377 = arith.constant 0 : i32
      %dma_start3A_378 = arith.constant 0 : i32
      %dma_start3A_379 = tpu.memref_slice %arg14[%dma_start3A_375, %dma_start3A_376, %dma_start3A_377, %dma_start3A_378] : memref<4x13x8x128xf32, #tpu.memory_space<vmem>> -> memref<1x13x8x128xf32, #tpu.memory_space<vmem>>
      %dma_start3A_380 = tpu.memref_squeeze %dma_start3A_379 : memref<1x13x8x128xf32, #tpu.memory_space<vmem>> -> memref<13x8x128xf32, #tpu.memory_space<vmem>>
      %dma_start3A_381 = arith.constant 0 : i32
      %dma_start3A_382 = arith.constant 0 : i32
      %dma_start3A_383 = tpu.memref_slice %arg4[%sub3A_49, %rem3A_1, %add3A_366, %dma_start3A_381, %dma_start3A_382] : memref<50x8x32x8x128xf32, #tpu.memory_space<hbm>> -> memref<13x1x1x8x128xf32, #tpu.memory_space<hbm>>
      %dma_start3A_384 = tpu.memref_squeeze %dma_start3A_383 : memref<13x1x1x8x128xf32, #tpu.memory_space<hbm>> -> memref<13x8x128xf32, #tpu.memory_space<hbm>>
      %dma_start3A_385 = arith.constant 0 : i32
      %dma_start3A_386 = arith.constant 0 : i32
      %dma_start3A_387 = tpu.memref_slice %arg4[%sub3A_49, %rem3A_1, %add3A_366, %dma_start3A_385, %dma_start3A_386] : memref<50x8x32x8x128xf32, #tpu.memory_space<hbm>> -> memref<13x1x1x8x128xf32, #tpu.memory_space<hbm>>
      %dma_start3A_388 = tpu.memref_squeeze %dma_start3A_387 : memref<13x1x1x8x128xf32, #tpu.memory_space<hbm>> -> memref<13x8x128xf32, #tpu.memory_space<hbm>>
      %dma_start3A_389 = arith.constant 0 : i32
      %dma_start3A_390 = arith.constant 0 : i32
      %dma_start3A_391 = arith.constant 0 : i32
      %dma_start3A_392 = tpu.memref_slice %arg14[%dma_start3A_375, %dma_start3A_389, %dma_start3A_390, %dma_start3A_391] : memref<4x13x8x128xf32, #tpu.memory_space<vmem>> -> memref<1x13x8x128xf32, #tpu.memory_space<vmem>>
      %dma_start3A_393 = tpu.memref_squeeze %dma_start3A_392 : memref<1x13x8x128xf32, #tpu.memory_space<vmem>> -> memref<13x8x128xf32, #tpu.memory_space<vmem>>
      tpu.enqueue_dma source(%dma_start3A_393 : memref<13x8x128xf32, #tpu.memory_space<vmem>>) target(%dma_start3A_388 : memref<13x8x128xf32, #tpu.memory_space<hbm>>) target_semaphore(%arg20 : memref<!tpu.dma_semaphore, #tpu.memory_space<semaphore_mem>>)
    }
    %scan3A_176 = arith.constant 8 : i32
    %dma_wait3A_177 = arith.constant 0 : i32
    %dma_wait3A_178 = arith.constant 0 : i32
    %dma_wait3A_179 = arith.constant 0 : i32
    %dma_wait3A_180 = arith.constant 0 : i32
    %dma_wait3A_181 = arith.constant 0 : i32
    %dma_wait3A_182 = arith.constant 0 : i32
    %dma_wait3A_183 = tpu.memref_slice %arg14[%dma_wait3A_177, %dma_wait3A_180, %dma_wait3A_181, %dma_wait3A_182] : memref<4x13x8x128xf32, #tpu.memory_space<vmem>> -> memref<1x13x8x128xf32, #tpu.memory_space<vmem>>
    %dma_wait3A_184 = tpu.memref_squeeze %dma_wait3A_183 : memref<1x13x8x128xf32, #tpu.memory_space<vmem>> -> memref<13x8x128xf32, #tpu.memory_space<vmem>>
    %dma_wait3A_185 = arith.constant 0 : i32
    %dma_wait3A_186 = arith.constant 0 : i32
    %dma_wait3A_187 = arith.constant 0 : i32
    %dma_wait3A_188 = tpu.memref_slice %arg4[%dma_wait3A_185, %dma_wait3A_178, %dma_wait3A_179, %dma_wait3A_186, %dma_wait3A_187] : memref<50x8x32x8x128xf32, #tpu.memory_space<hbm>> -> memref<13x1x1x8x128xf32, #tpu.memory_space<hbm>>
    %dma_wait3A_189 = tpu.memref_squeeze %dma_wait3A_188 : memref<13x1x1x8x128xf32, #tpu.memory_space<hbm>> -> memref<13x8x128xf32, #tpu.memory_space<hbm>>
    %dma_wait3A_190 = arith.constant 0 : i32
    %dma_wait3A_191 = arith.constant 0 : i32
    %dma_wait3A_192 = arith.constant 0 : i32
    %dma_wait3A_193 = tpu.memref_slice %arg4[%dma_wait3A_190, %dma_wait3A_178, %dma_wait3A_179, %dma_wait3A_191, %dma_wait3A_192] : memref<50x8x32x8x128xf32, #tpu.memory_space<hbm>> -> memref<13x1x1x8x128xf32, #tpu.memory_space<hbm>>
    %dma_wait3A_194 = tpu.memref_squeeze %dma_wait3A_193 : memref<13x1x1x8x128xf32, #tpu.memory_space<hbm>> -> memref<13x8x128xf32, #tpu.memory_space<hbm>>
    %dma_wait3A_195 = arith.constant 0 : i32
    %dma_wait3A_196 = arith.constant 0 : i32
    %dma_wait3A_197 = arith.constant 0 : i32
    %dma_wait3A_198 = tpu.memref_slice %arg14[%dma_wait3A_177, %dma_wait3A_195, %dma_wait3A_196, %dma_wait3A_197] : memref<4x13x8x128xf32, #tpu.memory_space<vmem>> -> memref<1x13x8x128xf32, #tpu.memory_space<vmem>>
    %dma_wait3A_199 = tpu.memref_squeeze %dma_wait3A_198 : memref<1x13x8x128xf32, #tpu.memory_space<vmem>> -> memref<13x8x128xf32, #tpu.memory_space<vmem>>
    tpu.wait_dma2 semaphore(%arg17 : memref<!tpu.dma_semaphore, #tpu.memory_space<semaphore_mem>>) src(%dma_wait3A_199 : memref<13x8x128xf32, #tpu.memory_space<vmem>>) dst(%dma_wait3A_194 : memref<13x8x128xf32, #tpu.memory_space<hbm>>)
    %dma_wait3A_200 = arith.constant 1 : i32
    %dma_wait3A_201 = arith.constant 0 : i32
    %dma_wait3A_202 = arith.constant 0 : i32
    %dma_wait3A_203 = arith.constant 0 : i32
    %dma_wait3A_204 = arith.constant 0 : i32
    %dma_wait3A_205 = arith.constant 0 : i32
    %dma_wait3A_206 = tpu.memref_slice %arg14[%dma_wait3A_200, %dma_wait3A_203, %dma_wait3A_204, %dma_wait3A_205] : memref<4x13x8x128xf32, #tpu.memory_space<vmem>> -> memref<1x13x8x128xf32, #tpu.memory_space<vmem>>
    %dma_wait3A_207 = tpu.memref_squeeze %dma_wait3A_206 : memref<1x13x8x128xf32, #tpu.memory_space<vmem>> -> memref<13x8x128xf32, #tpu.memory_space<vmem>>
    %dma_wait3A_208 = arith.constant 0 : i32
    %dma_wait3A_209 = arith.constant 0 : i32
    %dma_wait3A_210 = arith.constant 0 : i32
    %dma_wait3A_211 = tpu.memref_slice %arg4[%dma_wait3A_208, %dma_wait3A_201, %dma_wait3A_202, %dma_wait3A_209, %dma_wait3A_210] : memref<50x8x32x8x128xf32, #tpu.memory_space<hbm>> -> memref<13x1x1x8x128xf32, #tpu.memory_space<hbm>>
    %dma_wait3A_212 = tpu.memref_squeeze %dma_wait3A_211 : memref<13x1x1x8x128xf32, #tpu.memory_space<hbm>> -> memref<13x8x128xf32, #tpu.memory_space<hbm>>
    %dma_wait3A_213 = arith.constant 0 : i32
    %dma_wait3A_214 = arith.constant 0 : i32
    %dma_wait3A_215 = arith.constant 0 : i32
    %dma_wait3A_216 = tpu.memref_slice %arg4[%dma_wait3A_213, %dma_wait3A_201, %dma_wait3A_202, %dma_wait3A_214, %dma_wait3A_215] : memref<50x8x32x8x128xf32, #tpu.memory_space<hbm>> -> memref<13x1x1x8x128xf32, #tpu.memory_space<hbm>>
    %dma_wait3A_217 = tpu.memref_squeeze %dma_wait3A_216 : memref<13x1x1x8x128xf32, #tpu.memory_space<hbm>> -> memref<13x8x128xf32, #tpu.memory_space<hbm>>
    %dma_wait3A_218 = arith.constant 0 : i32
    %dma_wait3A_219 = arith.constant 0 : i32
    %dma_wait3A_220 = arith.constant 0 : i32
    %dma_wait3A_221 = tpu.memref_slice %arg14[%dma_wait3A_200, %dma_wait3A_218, %dma_wait3A_219, %dma_wait3A_220] : memref<4x13x8x128xf32, #tpu.memory_space<vmem>> -> memref<1x13x8x128xf32, #tpu.memory_space<vmem>>
    %dma_wait3A_222 = tpu.memref_squeeze %dma_wait3A_221 : memref<1x13x8x128xf32, #tpu.memory_space<vmem>> -> memref<13x8x128xf32, #tpu.memory_space<vmem>>
    tpu.wait_dma2 semaphore(%arg18 : memref<!tpu.dma_semaphore, #tpu.memory_space<semaphore_mem>>) src(%dma_wait3A_222 : memref<13x8x128xf32, #tpu.memory_space<vmem>>) dst(%dma_wait3A_217 : memref<13x8x128xf32, #tpu.memory_space<hbm>>)
    %dma_wait3A_223 = arith.constant 2 : i32
    %dma_wait3A_224 = arith.constant 0 : i32
    %dma_wait3A_225 = arith.constant 0 : i32
    %dma_wait3A_226 = arith.constant 0 : i32
    %dma_wait3A_227 = arith.constant 0 : i32
    %dma_wait3A_228 = arith.constant 0 : i32
    %dma_wait3A_229 = tpu.memref_slice %arg14[%dma_wait3A_223, %dma_wait3A_226, %dma_wait3A_227, %dma_wait3A_228] : memref<4x13x8x128xf32, #tpu.memory_space<vmem>> -> memref<1x13x8x128xf32, #tpu.memory_space<vmem>>
    %dma_wait3A_230 = tpu.memref_squeeze %dma_wait3A_229 : memref<1x13x8x128xf32, #tpu.memory_space<vmem>> -> memref<13x8x128xf32, #tpu.memory_space<vmem>>
    %dma_wait3A_231 = arith.constant 0 : i32
    %dma_wait3A_232 = arith.constant 0 : i32
    %dma_wait3A_233 = arith.constant 0 : i32
    %dma_wait3A_234 = tpu.memref_slice %arg4[%dma_wait3A_231, %dma_wait3A_224, %dma_wait3A_225, %dma_wait3A_232, %dma_wait3A_233] : memref<50x8x32x8x128xf32, #tpu.memory_space<hbm>> -> memref<13x1x1x8x128xf32, #tpu.memory_space<hbm>>
    %dma_wait3A_235 = tpu.memref_squeeze %dma_wait3A_234 : memref<13x1x1x8x128xf32, #tpu.memory_space<hbm>> -> memref<13x8x128xf32, #tpu.memory_space<hbm>>
    %dma_wait3A_236 = arith.constant 0 : i32
    %dma_wait3A_237 = arith.constant 0 : i32
    %dma_wait3A_238 = arith.constant 0 : i32
    %dma_wait3A_239 = tpu.memref_slice %arg4[%dma_wait3A_236, %dma_wait3A_224, %dma_wait3A_225, %dma_wait3A_237, %dma_wait3A_238] : memref<50x8x32x8x128xf32, #tpu.memory_space<hbm>> -> memref<13x1x1x8x128xf32, #tpu.memory_space<hbm>>
    %dma_wait3A_240 = tpu.memref_squeeze %dma_wait3A_239 : memref<13x1x1x8x128xf32, #tpu.memory_space<hbm>> -> memref<13x8x128xf32, #tpu.memory_space<hbm>>
    %dma_wait3A_241 = arith.constant 0 : i32
    %dma_wait3A_242 = arith.constant 0 : i32
    %dma_wait3A_243 = arith.constant 0 : i32
    %dma_wait3A_244 = tpu.memref_slice %arg14[%dma_wait3A_223, %dma_wait3A_241, %dma_wait3A_242, %dma_wait3A_243] : memref<4x13x8x128xf32, #tpu.memory_space<vmem>> -> memref<1x13x8x128xf32, #tpu.memory_space<vmem>>
    %dma_wait3A_245 = tpu.memref_squeeze %dma_wait3A_244 : memref<1x13x8x128xf32, #tpu.memory_space<vmem>> -> memref<13x8x128xf32, #tpu.memory_space<vmem>>
    tpu.wait_dma2 semaphore(%arg19 : memref<!tpu.dma_semaphore, #tpu.memory_space<semaphore_mem>>) src(%dma_wait3A_245 : memref<13x8x128xf32, #tpu.memory_space<vmem>>) dst(%dma_wait3A_240 : memref<13x8x128xf32, #tpu.memory_space<hbm>>)
    %dma_wait3A_246 = arith.constant 3 : i32
    %dma_wait3A_247 = arith.constant 0 : i32
    %dma_wait3A_248 = arith.constant 0 : i32
    %dma_wait3A_249 = arith.constant 0 : i32
    %dma_wait3A_250 = arith.constant 0 : i32
    %dma_wait3A_251 = arith.constant 0 : i32
    %dma_wait3A_252 = tpu.memref_slice %arg14[%dma_wait3A_246, %dma_wait3A_249, %dma_wait3A_250, %dma_wait3A_251] : memref<4x13x8x128xf32, #tpu.memory_space<vmem>> -> memref<1x13x8x128xf32, #tpu.memory_space<vmem>>
    %dma_wait3A_253 = tpu.memref_squeeze %dma_wait3A_252 : memref<1x13x8x128xf32, #tpu.memory_space<vmem>> -> memref<13x8x128xf32, #tpu.memory_space<vmem>>
    %dma_wait3A_254 = arith.constant 0 : i32
    %dma_wait3A_255 = arith.constant 0 : i32
    %dma_wait3A_256 = arith.constant 0 : i32
    %dma_wait3A_257 = tpu.memref_slice %arg4[%dma_wait3A_254, %dma_wait3A_247, %dma_wait3A_248, %dma_wait3A_255, %dma_wait3A_256] : memref<50x8x32x8x128xf32, #tpu.memory_space<hbm>> -> memref<13x1x1x8x128xf32, #tpu.memory_space<hbm>>
    %dma_wait3A_258 = tpu.memref_squeeze %dma_wait3A_257 : memref<13x1x1x8x128xf32, #tpu.memory_space<hbm>> -> memref<13x8x128xf32, #tpu.memory_space<hbm>>
    %dma_wait3A_259 = arith.constant 0 : i32
    %dma_wait3A_260 = arith.constant 0 : i32
    %dma_wait3A_261 = arith.constant 0 : i32
    %dma_wait3A_262 = tpu.memref_slice %arg4[%dma_wait3A_259, %dma_wait3A_247, %dma_wait3A_248, %dma_wait3A_260, %dma_wait3A_261] : memref<50x8x32x8x128xf32, #tpu.memory_space<hbm>> -> memref<13x1x1x8x128xf32, #tpu.memory_space<hbm>>
    %dma_wait3A_263 = tpu.memref_squeeze %dma_wait3A_262 : memref<13x1x1x8x128xf32, #tpu.memory_space<hbm>> -> memref<13x8x128xf32, #tpu.memory_space<hbm>>
    %dma_wait3A_264 = arith.constant 0 : i32
    %dma_wait3A_265 = arith.constant 0 : i32
    %dma_wait3A_266 = arith.constant 0 : i32
    %dma_wait3A_267 = tpu.memref_slice %arg14[%dma_wait3A_246, %dma_wait3A_264, %dma_wait3A_265, %dma_wait3A_266] : memref<4x13x8x128xf32, #tpu.memory_space<vmem>> -> memref<1x13x8x128xf32, #tpu.memory_space<vmem>>
    %dma_wait3A_268 = tpu.memref_squeeze %dma_wait3A_267 : memref<1x13x8x128xf32, #tpu.memory_space<vmem>> -> memref<13x8x128xf32, #tpu.memory_space<vmem>>
    tpu.wait_dma2 semaphore(%arg20 : memref<!tpu.dma_semaphore, #tpu.memory_space<semaphore_mem>>) src(%dma_wait3A_268 : memref<13x8x128xf32, #tpu.memory_space<vmem>>) dst(%dma_wait3A_263 : memref<13x8x128xf32, #tpu.memory_space<hbm>>)
    return
  }
}

</mosaic_0001>

<sc_bundles>
// kernel: kernel.3.cloned.1.call-start
scs
__scs_entry_jumppad:
0x0: {  	(pc) =	sbr.rel $0x88, $3  }
0x1: {  	(tag) =	ssettag $0x0;
	lr =	simm.s32 $0x1  }
0x2: {  	[smem:$0x3F9F] =	sst lr;
	_ =	strace $0xD0000000  }
0x3: {  	_ = 	snop  }
0x4: {  	_ = 	snop  }
0x5: {  	_ = 	snop  }
0x6: {  	_ = 	snop  }
0x7: {  	_ = 	snop  }
__scs_overlays_trampoline_lowered:
0x8: {  	[smem:$0x3FAE] =	sst s0  }
0x9: {  	[smem:$0x3FAF] =	sst s1  }
0xa: {  	[smem:$0x3FB0] =	sst s2  }
0xb: {  	[smem:$0x3FB1] =	sst s3  }
0xc: {  	[smem:$0x3FB2] =	sst s4  }
0xd: {  	[smem:$0x3FB3] =	sst s5  }
0xe: {  	[smem:$0x3FB4] =	sst s6  }
0xf: {  	[smem:$0x3FB5] =	sst s7  }
0x10: {  	[smem:$0x3FB6] =	sst s8  }
0x11: {  	[smem:$0x3FB7] =	sst s9;
	s0 =	simm.s32 @!p0 $0x0  }
0x12: {  	s1 =	sld [smem:$0x3F9D];
	s0 =	simm.s32 @p0 $0x1  }
0x13: {  	[smem:$0x3FB8] =	sst s0;
	s0 =	simm.s32 @!p1 $0x0  }
0x14: {  	s2 =	sld [smem:$0x3F9C];
	s0 =	simm.s32 @p1 $0x1  }
0x15: {  	[smem:$0x3FB9] =	sst s0;
	s0 =	simm.s32 @!p2 $0x0  }
0x16: {  	s3 =	sld [smem:$0x3FDB];
	s0 =	simm.s32 @p2 $0x1  }
0x17: {  	s4 =	simm.s32 $0x1BF5;
	[smem:$0x3FBB] =	sst s0  }
0x18: {  	s0 =	sld [smem:$0x3F9E];
	_ =	swait.ge [sflag:s4], $0x0  }
0x19: {  	s7 =	sld [smem:$0x3F9F]  }
0x1a: {  	s8 =	sadd.s32 $0xFFFFE003, lr  }
0x1b: {  	s9 =	sadd.s32 $0xFFFFFEF7, lr;
	s5 =	simm.s32 $0xFFFFFFFF;
	p2 =	slt.u32 s8, $0xFFFFF086  }
0x1c: {  	p1 =	slt.u32 s9, $0xF7A;
	s5 =	simm.s32 @!p2 $0x0  }
0x1d: {  	s5 =	simm.s32 @p1 $0x1;
	p0 =	seq.s32 s7, s2  }
0x1e: {  	s7 =	smul.u32 @!p0 $0xF7A, s2;
	p2 =	seq.s32 @!p0 s5, $0x0  }
0x1f: {  	s9 =	smul.u32 $0xF7A, s1;
	s8 =	simm.s32 @!p0 $0x1BF5;
	p2 =	por !p2, p0  }
0x20: {  	[sflag:s8] =	ssyncset.s32 @!p0 $0xFFFFF086;
	s6 =	sadd.s32 @!p0 s3, s7;
	s7 =	simm.s32 @!p0 $0x108  }
0x21: {  	s3 =	sadd.s32 s3, s9;
	s6 =	sadd.s32 @!p0 $0x88, s6;
	s7 =	simm.s32 @p2 $0x1082  }
0x22: {  	[simem:s7], [sflag:s8] =	dma.local @!p0 [hbm:s6], $0xF7A  }
0x23: {  	s9 =	sor.u32 $0xD0000000, s2;
	s6 =	simm.s32 $0x108;
	_ =	swait.ge @!p0 [sflag:s8], $0x0  }
0x24: {  	s3 =	sadd.s32 $0x88, s3;
	s6 =	simm.s32 @!p1 $0x1082;
	[sflag:s4] =	ssyncset.s32 $0xFFFFF086  }
0x25: {  	[simem:s6], [sflag:s4] =	dma.local [hbm:s3], $0xF7A  }
0x26: {  	[smem:$0x3F9F] =	sst s1;
	(tag) =	ssettag s2;
	_ =	strace s9  }
0x27: {  	s1 =	sld [smem:$0x3FAF]  }
0x28: {  	s2 =	sld [smem:$0x3FB0]  }
0x29: {  	s4 =	sld [smem:$0x3FB2]  }
0x2a: {  	p0 =	seq.s32 s5, $0x0;
	s5 =	sld [smem:$0x3FB3]  }
0x2b: {  	s6 =	sld [smem:$0x3FB4]  }
0x2c: {  	s7 =	sld [smem:$0x3FB5]  }
0x2d: {  	s3 =	simm.s32 $0x108;
	s8 =	sld [smem:$0x3FB6]  }
0x2e: {  	s3 =	simm.s32 @!p0 $0x1082;
	s9 =	sld [smem:$0x3FB7]  }
0x2f: {  	lr =	sadd.s32 s0, s3;
	s0 =	sld [smem:$0x3FAE]  }
0x30: {  	s3 =	sld [smem:$0x3FB1]  }
0x31: {  	[smem:$0x3FBA] =	sst s10  }
0x32: {  	s10 =	sld [smem:$0x3FB8];
	_ =	sdelay $0x3  }
0x33: {  	p0 =	seq.s32 s10, $0x1;
	s10 =	sld [smem:$0x3FBA];
	_ =	sdelay $0x3  }
0x34: {  	[smem:$0x3FBA] =	sst s10  }
0x35: {  	s10 =	sld [smem:$0x3FB9];
	_ =	sdelay $0x3  }
0x36: {  	p1 =	seq.s32 s10, $0x1;
	s10 =	sld [smem:$0x3FBA];
	_ =	sdelay $0x3  }
0x37: {  	[smem:$0x3FBA] =	sst s10  }
0x38: {  	s10 =	sld [smem:$0x3FBB]  }
0x39: {  	_ = 	snop;
	(pc) =	sbr.ind lr, $3  }
0x3a: {  	_ = 	snop  }
0x3b: {  	_ = 	snop  }
0x3c: {  	p2 =	seq.s32 s10, $0x1;
	s10 =	sld [smem:$0x3FBA]  }
0x3d: {  	_ =	shalt  }
0x3e: {  	_ =	shalt  }
0x3f: {  	_ =	shalt  }
0x40: {  	_ =	shalt  }
0x41: {  	_ =	shalt  }
0x42: {  	_ =	shalt  }
0x43: {  	_ =	shalt  }
0x44: {  	_ =	shalt  }
0x45: {  	_ =	shalt  }
0x46: {  	_ =	shalt  }
0x47: {  	_ =	shalt  }
0x48: {  	_ =	shalt  }
0x49: {  	_ =	shalt  }
0x4a: {  	_ =	shalt  }
0x4b: {  	_ =	shalt  }
0x4c: {  	_ =	shalt  }
0x4d: {  	_ =	shalt  }
0x4e: {  	_ =	shalt  }
0x4f: {  	_ =	shalt  }
0x50: {  	_ =	shalt  }
0x51: {  	_ =	shalt  }
0x52: {  	_ =	shalt  }
0x53: {  	_ =	shalt  }
0x54: {  	_ =	shalt  }
0x55: {  	_ =	shalt  }
0x56: {  	_ =	shalt  }
0x57: {  	_ =	shalt  }
0x58: {  	_ =	shalt  }
0x59: {  	_ =	shalt  }
0x5a: {  	_ =	shalt  }
0x5b: {  	_ =	shalt  }
0x5c: {  	_ =	shalt  }
0x5d: {  	_ =	shalt  }
0x5e: {  	_ =	shalt  }
0x5f: {  	_ =	shalt  }
0x60: {  	_ =	shalt  }
0x61: {  	_ =	shalt  }
0x62: {  	_ =	shalt  }
0x63: {  	_ =	shalt  }
0x64: {  	_ =	shalt  }
0x65: {  	_ =	shalt  }
0x66: {  	_ =	shalt  }
0x67: {  	_ =	shalt  }
0x68: {  	_ =	shalt  }
0x69: {  	_ =	shalt  }
0x6a: {  	_ =	shalt  }
0x6b: {  	_ =	shalt  }
0x6c: {  	_ =	shalt  }
0x6d: {  	_ =	shalt  }
0x6e: {  	_ =	shalt  }
0x6f: {  	_ =	shalt  }
0x70: {  	_ =	shalt  }
0x71: {  	_ =	shalt  }
0x72: {  	_ =	shalt  }
0x73: {  	_ =	shalt  }
0x74: {  	_ =	shalt  }
0x75: {  	_ =	shalt  }
0x76: {  	_ =	shalt  }
0x77: {  	_ =	shalt  }
0x78: {  	_ =	shalt  }
0x79: {  	_ =	shalt  }
0x7a: {  	_ =	shalt  }
0x7b: {  	_ =	shalt  }
0x7c: {  	_ =	shalt  }
0x7d: {  	_ =	shalt  }
0x7e: {  	_ =	shalt  }
0x7f: {  	_ =	shalt  }
0x80: {  	_ =	shalt  }
0x81: {  	_ =	shalt  }
0x82: {  	_ =	shalt  }
0x83: {  	_ =	shalt  }
0x84: {  	_ =	shalt  }
0x85: {  	_ =	shalt  }
0x86: {  	_ =	shalt  }
0x87: {  	_ =	shalt  }
.Lfunc_end0:
.L_simem_size_0:
called_computation_lowered:
.L_overlay_start_0:
0x88: {  	s2 =	sld [smem:$0x3FD9]  }
0x89: {  	s3 =	sld [smem:$0x3FFE];
	_ =	sdelay $0x1  }
0x8a: {  	s1 =	srdreg.scid  }
0x8b: {  	s0 =	sand.u32 $0x1, s1  }
0x8c: {  	s17 =	sshll.u32 s0, $0xA;
	s2 =	sadd.s32 s3, s2  }
0x8d: {  	s2 =	sadd.s32 s2, s17  }
0x8e: {  	[smem:$0x3FC6] =	sst s2  }
0x8f: {  	_ = 	snop  }
0x90: {  	s2 =	sld [smem:$0x3FD0];
	(tm) =	ssettm $0x1  }
0x91: {  	s18 =	sld [smem:$0x3FFB];
	_ =	sdelay $0x3  }
0x92: {  	_ =	strace s18  }
0x93: {  	s3 =	sld [smem:$0x3FFC];
	_ =	sdelay $0x3  }
0x94: {  	_ =	strace s3  }
0x95: {  	s3 =	sld [smem:$0x3FFD];
	_ =	sdelay $0x3  }
0x96: {  	_ =	strace s3  }
0x97: {  	_ =	strace $0x8FFFFFFF  }
0x98: {  	s19 =	sld [smem:$0x3FDB];
	_ =	sdelay $0x1  }
0x99: {  	s4 =	simm.s32 $_scs_section_size  }
0x9a: {  	s5 =	simm.s32 $_size__tile_overlayer_lowered;
	s6 =	simm.s32 $_tile_overlayer_lowered  }
0x9b: {  	s22 =	simm.s32 $0x1BFF;
	s21 =	sshll.u32 s6, $0x1;
	s3 =	sadd.s32 s4, s19  }
0x9c: {  	s7 =	simm.s32 $0x0;
	s20 =	sshll.u32 s5, $0x1;
	s5 =	sadd.s32 s21, s3  }
0x9d: {  	[timem:s7], [sflag:s22] =	dma.local [hbm:s5], s20  }
0x9e: {  	_ =	swait.ge [sflag:s22], s20  }
0x9f: {  	s4 =	ssub.s32 $0x0, s20;
	[sflag:s22] =	ssyncset.done $0x0  }
0xa0: {  	[sflag:s22] =	ssyncadd.s32 s4;
	_ =	sdelay $0x1  }
0xa1: {  	s23 =	simm.s32 $0x1B8B  }
0xa2: {  	_ =	swait.ge [sflag:s23], $0x1  }
0xa3: {  	[sflag:s23] =	ssyncset.done $0x0  }
0xa4: {  	s25 =	simm.s32 $0x1B8E;
	s24 =	sld [smem:$0x3FFE];
	[sflag:s23] =	ssyncadd.s32 $0xFFFFFFFF  }
0xa5: {  	s26 =	simm.s32 $execute0_lowered;
	[smem:$0x3FD2] =	sst s25  }
0xa6: {  	s5 =	sshll.u32 s26, $0x1;
	_ =	strace $0x80000046;
	[dreg:$0x1] =	wrdreg $0xFFFFFFFF  }
0xa7: {  	s28 =	simm.s32 $_size_execute0_lowered;
	s3 =	sadd.s32 s3, s5;
	[dreg:$0x0] =	wrdreg $0x0  }
0xa8: {  	s5 =	sshll.u32 s28, $0x1;
	[dreg:$0x2] =	wrdreg s3  }
0xa9: {  	[dreg:$0x3] =	wrdreg s5  }
0xaa: {  	[dreg:$0x4] =	wrdreg $0xC0  }
0xab: {  	_ =	task [dreg:s7], $0x5FFFF  }
0xac: {  	[dreg:$0x1] =	wrdreg $0xFFFFFFFF  }
0xad: {  	[dreg:$0x0] =	wrdreg $0x60  }
0xae: {  	[dreg:$0x2] =	wrdreg s24  }
0xaf: {  	[dreg:$0x3] =	wrdreg s2  }
0xb0: {  	[dreg:$0x4] =	wrdreg $0x9  }
0xb1: {  	_ =	task.clear_ibuf [dreg:s7], $0x5FFFF;
	_ =	strace $0x90000046  }
0xb2: {  	s29 =	simm.s32 $0x9;
	_ =	strace $0x80000048  }
0xb3: {  	_ =	swait.ge [sflag:s29], $0x1  }
0xb4: {  	[sflag:s29] =	ssyncadd.s32 $0xFFFFFFFF  }
0xb5: {  	_ =	strace $0x90000048  }
0xb6: {  	_ =	sfence  }
0xb7: {  	s30 =	sld [smem:$0x0];
	_ =	sdelay $0x2  }
0xb8: {  	s31 =	sshll.u32 s1, $0xD;
	s1 =	sshrl.u32 s1, $0x2  }
0xb9: {  	s3 =	sand.u32 $0x4000, s31;
	s1 =	sadd.s32 s1, s30  }
0xba: {  	s0 =	sor.u32 s3, s0;
	s1 =	sshll.u32 s1, $0x11  }
0xbb: {  	s0 =	sor.u32 s1, s0  }
0xbc: {  	s0 =	sadd.s32 $0x8F2B, s0  }
0xbd: {  	[sflag:s0] =	ssyncadd.remote.s32 $0x1  }
0xbe: {  	_ =	sfence.sel $0xFFFF  }
0xbf: {  	[dreg:$0x0] =	wrdreg $0xFFFFFFFF;
	(pc) =	sbr.abs _section_cstart, $3  }
0xc0: {  	[dreg:$0x1] =	wrdreg $0xFFFFFFFF  }
0xc1: {  	_ =	task.clear_ibuf [dreg:s7], $0x2FFFF;
	_ =	strace $0x9FFFFFFF  }
0xc2: {  	(tm) =	ssettm $0x7FFFFFFF  }
0xc3: {  	_ =	shalt  }
tec
execute0_lowered:
.L_overlay_start_1:
0x0: {  	(tag) =	ssettag $0x1  }
0x1: {  	s0 =	rddreg [dreg:$0x0]  }
0x2: {  	s1 =	rddreg [dreg:$0x1];
	s3 =	simm.s32 $0x0  }
0x3: {  	s8 =	stileid.u32;
	s4 =	srdreg.scid;
	s30 =	simm.s32 $0x3  }
0x4: {  	s31 =	simm.s32 $0x400;
	[smem:$0x7FF] =	sst s3;
	s2 =	sadd.s32 $0x2400, s0  }
0x5: {  	s0 =	sadd.s32 $0x400, s0;
	s5 =	sshll.u32 s8, $0x1;
	s4 =	sand.u32 $0x1, s4  }
0x6: {  	s6 =	sshrl.u32 s8, $0x2;
	p0 =	sgt.u32 s8, $0xB;
	s5 =	sand.u32 $0x6, s5  }
0x7: {  	s7 =	ssub.s32 $0x2, s4;
	s12 =	smul.u32 $0xD, s6;
	s4 =	sor.u32 s4, s5  }
0x8: {  	_ =	strace $0x80000047;
	s6 =	simm.s32 $0xFFFFFFFE;
	s13 =	smul.u32 $0x1F40, s4  }
0x9: {  	s9 =	sshrl.u32 s7, $0x1;
	s6 =	simm.s32 @!p0 $0x0;
	s10 =	smul.u32 $0x3E8, s4  }
0xa: {  	s7 =	ssub.s32 s7, s9;
	s5 =	sadd.s32 s12, s6;
	s4 =	sshll.u32 s4, $0xF  }
0xb: {  	s23 =	sshll.u32 s5, $0x7;
	s5 =	sshll.u32 s5, $0x12;
	s29 =	smax.u32 s7, $0x1  }
0xc: {  	s14 =	sadd.s32 $0x3E8, s13;
	s15 =	sadd.s32 s0, s10;
	s16 =	sshrl.u32 s13, $0x3  }
0xd: {  	s18 =	sadd.s32 $0xBB8, s13;
	s20 =	sadd.s32 $0x1388, s13;
	s8 =	sadd.s32 $0x1B58, s13  }
0xe: {  	s25 =	sshrl.u32 s23, $0x3;
	s28 =	sadd.s32 $0x7000, s23;
	[dreg:$0xd] =	wrdreg s29  }
0xf: {  	[dreg:$0x3] =	wrdreg s15;
	s6 =	sshrl.u32 s14, $0x3;
	s17 =	sadd.s32 s0, s16  }
0x10: {  	s9 =	sshrl.u32 s18, $0x3;
	s22 =	sshrl.u32 s20, $0x3;
	s26 =	sadd.s32 s2, s25  }
0x11: {  	s24 =	sshrl.u32 s8, $0x3;
	s6 =	sadd.s32 s0, s6;
	[dreg:$0xb] =	wrdreg s26  }
0x12: {  	s14 =	sor.u32 s4, s5;
	s19 =	sadd.s32 $0xFA, s17;
	[dreg:$0x4] =	wrdreg s6  }
0x13: {  	s16 =	simm.s32 $0x3E8;
	s9 =	sadd.s32 s0, s9;
	[dreg:$0x5] =	wrdreg s19  }
0x14: {  	s18 =	simm.s32 $0xBB8;
	s21 =	sadd.s32 $0x1F4, s17;
	[dreg:$0x6] =	wrdreg s9  }
0x15: {  	s20 =	simm.s32 $0x1388;
	s5 =	simm.s32 $0x0;
	[dreg:$0x7] =	wrdreg s21  }
.Ltmp0:
0x16: {  	s9 =	sadd.s32 s0, s22;
	s6 =	sadd.s32 $0x2EE, s17;
	(pc) =	sbr.rel .LBB2_1-.Ltmp0, $4  }
0x17: {  	s0 =	sadd.s32 s0, s24;
	s17 =	simm.s32 $0x7D0;
	[dreg:$0x8] =	wrdreg s9  }
0x18: {  	s19 =	simm.s32 $0xFA0;
	[dreg:$0xa] =	wrdreg s0;
	s0 =	sshrl.u32 s28, $0x3  }
0x19: {  	s21 =	simm.s32 $0x1770;
	[dreg:$0x9] =	wrdreg s6;
	s0 =	sadd.s32 s2, s0  }
0x1a: {  	s22 =	simm.s32 $0x1B58;
	[dreg:$0xc] =	wrdreg s0;
	s0 =	simm.s32 $0x40000  }
.LBB2_16:
0x1b: {  	_ =	swait.ge [sflag:s30], $0x3400  }
0x1c: {  	[sflag:s30] =	ssyncset.done $0x0  }
0x1d: {  	s2 =	simm.s32 $0x4;
	[sflag:s30] =	ssyncadd.s32 $0xFFFFCC00  }
0x1e: {  	_ =	swait.ge [sflag:s2], $0x3400  }
0x1f: {  	[sflag:s2] =	ssyncset.done $0x0  }
0x20: {  	s28 =	simm.s32 $0x5;
	[sflag:s2] =	ssyncadd.s32 $0xFFFFCC00  }
0x21: {  	_ =	swait.ge [sflag:s28], $0x3400  }
0x22: {  	[sflag:s28] =	ssyncset.done $0x0  }
0x23: {  	s4 =	simm.s32 $0x6;
	[sflag:s28] =	ssyncadd.s32 $0xFFFFCC00  }
0x24: {  	_ =	swait.ge [sflag:s4], $0x3400  }
0x25: {  	s5 =	rddreg [dreg:$0xe]  }
0x26: {  	s29 =	rddreg [dreg:$0xd];
	s5 =	sadd.s32 $0x1, s5  }
0x27: {  	p0 =	sne.s32 s5, s29  }
.Ltmp1:
0x28: {  	_ = 	snop;
	(pc) =	sbr.rel @!p0 .LBB2_17-.Ltmp1, $3  }
0x29: {  	_ =	sdelay $0x1  }
0x2a: {  	[sflag:s4] =	ssyncset.done $0x0  }
0x2b: {  	[sflag:s4] =	ssyncadd.s32 $0xFFFFCC00  }
.LBB2_1:
0x2c: {  	[dreg:$0xe] =	wrdreg s5  }
0x2d: {  	s2 =	rddreg [dreg:$0x3]  }
0x2e: {  	s9 =	rddreg [dreg:$0x4]  }
0x2f: {  	[tilespmem:s3], [sflag:$0x1] =	stream.linear.gather [hbm4b:s2+s3], $0x3E8, $0x38;
	[tilespmem:$0x1BF40] =	vst v63  }
0x30: {  	s10 =	rddreg [dreg:$0x5]  }
0x31: {  	[tilespmem:s16], [sflag:$0x1] =	stream.linear.gather [hbm4b:s9+s3], $0x3E8, $0x38;
	[tilespmem:$0x1BF40] =	vst v63  }
0x32: {  	s11 =	rddreg [dreg:$0x6]  }
0x33: {  	[tilespmem:s17], [sflag:$0x1] =	stream.linear.gather [hbm4b:s10+s3], $0x3E8, $0x38;
	[tilespmem:$0x1BF40] =	vst v63  }
0x34: {  	s12 =	rddreg [dreg:$0x7]  }
0x35: {  	[tilespmem:s18], [sflag:$0x1] =	stream.linear.gather [hbm4b:s11+s3], $0x3E8, $0x38;
	[tilespmem:$0x1BF40] =	vst v63  }
0x36: {  	s13 =	rddreg [dreg:$0x8]  }
0x37: {  	[tilespmem:s19], [sflag:$0x1] =	stream.linear.gather [hbm4b:s12+s3], $0x3E8, $0x38;
	[tilespmem:$0x1BF40] =	vst v63  }
0x38: {  	s15 =	rddreg [dreg:$0x9]  }
0x39: {  	[tilespmem:s20], [sflag:$0x1] =	stream.linear.gather [hbm4b:s13+s3], $0x3E8, $0x38;
	[tilespmem:$0x1BF40] =	vst v63  }
0x3a: {  	s23 =	rddreg [dreg:$0xa]  }
0x3b: {  	[tilespmem:s21], [sflag:$0x1] =	stream.linear.gather [hbm4b:s15+s3], $0x3E8, $0x38;
	[tilespmem:$0x1BF40] =	vst v63  }
0x3c: {  	s24 =	rddreg [dreg:$0xb]  }
0x3d: {  	[tilespmem:s22], [sflag:$0x1] =	stream.linear.gather [hbm4b:s23+s3], $0x3E8, $0x38;
	[tilespmem:$0x1BF40] =	vst v63  }
0x3e: {  	s4 =	simm.s32 $0x680;
	s25 =	simm.s32 $0x1C00;
	s6 =	simm.s32 $0x1F40  }
0x3f: {  	[tilespmem:s6], [sflag:$0x1] =	stream.strided.gather [hbm4b:s24+s4], $0x1A00, s25, s4, $0x38;
	[tilespmem:$0x1BF40] =	vst v63  }
0x40: {  	s26 =	rddreg [dreg:$0xc];
	s28 =	simm.s32 $0x3940;
	s29 =	simm.s32 $0x1  }
0x41: {  	[tilespmem:s28], [sflag:$0x2] =	stream.strided.gather [hbm4b:s26+s4], $0xB600, s25, s4, $0x38;
	[tilespmem:$0x1BF40] =	vst v63  }
0x42: {  	_ =	swait.ge [sflag:s29], $0x3E8  }
0x43: {  	[sflag:s29] =	ssyncset.done $0x0  }
0x44: {  	[sflag:s29] =	ssyncadd.s32 $0xFFFFFC18  }
0x45: {  	_ =	swait.ge [sflag:s29], $0x3E8  }
0x46: {  	[sflag:s29] =	ssyncset.done $0x0  }
0x47: {  	[sflag:s29] =	ssyncadd.s32 $0xFFFFFC18  }
0x48: {  	_ =	swait.ge [sflag:s29], $0x3E8  }
0x49: {  	[sflag:s29] =	ssyncset.done $0x0  }
0x4a: {  	[sflag:s29] =	ssyncadd.s32 $0xFFFFFC18  }
0x4b: {  	_ =	swait.ge [sflag:s29], $0x3E8  }
0x4c: {  	[sflag:s29] =	ssyncset.done $0x0  }
0x4d: {  	[sflag:s29] =	ssyncadd.s32 $0xFFFFFC18  }
0x4e: {  	_ =	swait.ge [sflag:s29], $0x3E8  }
0x4f: {  	[sflag:s29] =	ssyncset.done $0x0  }
0x50: {  	[sflag:s29] =	ssyncadd.s32 $0xFFFFFC18  }
0x51: {  	_ =	swait.ge [sflag:s29], $0x3E8  }
0x52: {  	[sflag:s29] =	ssyncset.done $0x0  }
0x53: {  	[sflag:s29] =	ssyncadd.s32 $0xFFFFFC18  }
0x54: {  	_ =	swait.ge [sflag:s29], $0x3E8  }
0x55: {  	[sflag:s29] =	ssyncset.done $0x0  }
0x56: {  	[sflag:s29] =	ssyncadd.s32 $0xFFFFFC18  }
0x57: {  	_ =	swait.ge [sflag:s29], $0x3E8  }
0x58: {  	[sflag:s29] =	ssyncset.done $0x0  }
0x59: {  	[sflag:s29] =	ssyncadd.s32 $0xFFFFFC18  }
0x5a: {  	_ =	swait.ge [sflag:s29], $0x1A00  }
0x5b: {  	[sflag:s29] =	ssyncset.done $0x0  }
0x5c: {  	s9 =	simm.s32 $0x0;
	[sflag:s29] =	ssyncadd.s32 $0xFFFFE600  }
.LBB2_2:
0x5d: {  	p0 =	sne.s32 s9, $0x1  }
.Ltmp2:
0x5e: {  	_ = 	snop;
	(pc) =	sbr.rel @p0 .LBB2_4-.Ltmp2, $1  }
0x5f: {  	_ =	sdelay $0x3  }
.Ltmp3:
0x60: {  	(pc) =	sbr.rel .LBB2_6-.Ltmp3, $4  }
0x61: {  	s2 =	simm.s32 $0x2  }
0x62: {  	_ =	swait.ge [sflag:s2], $0xB600  }
0x63: {  	[sflag:s2] =	ssyncset.done $0x0  }
0x64: {  	s23 =	simm.s32 $0x4;
	[sflag:s2] =	ssyncadd.s32 $0xFFFF4A00  }
.LBB2_4:
0x65: {  	p0 =	seq.s32 s9, $0x0  }
.Ltmp4:
0x66: {  	_ = 	snop;
	(pc) =	sbr.rel @p0 .LBB2_18-.Ltmp4, $1  }
0x67: {  	_ =	sdelay $0x3  }
0x68: {  	s23 =	sshll.u32 s9, $0x2  }
.LBB2_6:
0x69: {  	_ =	swait.ge [sflag:s30], $0x3400  }
0x6a: {  	[sflag:s30] =	ssyncset.done $0x0  }
0x6b: {  	p0 =	por $0x0, $0x0;
	[sflag:s30] =	ssyncadd.s32 $0xFFFFCC00  }
.LBB2_7:
0x6c: {  	s2 =	smul.u32 $0x6800, s9;
	_ =	sdelay $0x1  }
0x6d: {  	s5 =	simm.s32 $0x0;
	s2 =	sshra.s32 s2, $0x2  }
0x6e: {  	s12 =	simm.s32 $0x0;
	s5 =	sand.u32 $0x3FFFFF80, s5;
	s13 =	sadd.s32 $0x1F40, s2  }
0x6f: {  	s2 =	sand.u32 $0x70, s12;
	s5 =	sadd.s32 s5, s13  }
0x70: {  	s5 =	sadd.s32 s2, s5  }
0x71: {  	v7 =	vld [tilespmem:s5+$0x0]  }
0x72: {  	s15 =	simm.s32 $0x10  }
0x73: {  	s6 =	simm.s32 $0x10;
	s5 =	sand.u32 $0x3FFFFF80, s15  }
0x74: {  	s6 =	sand.u32 $0x70, s6;
	s5 =	sadd.s32 s5, s13  }
0x75: {  	s5 =	sadd.s32 s6, s5  }
0x76: {  	s24 =	simm.s32 $0x0;
	s7 =	simm.s32 $0x20;
	v0 =	vld [tilespmem:s5+$0x0]  }
0x77: {  	s8 =	simm.s32 $0x20;
	s7 =	sand.u32 $0x3FFFFF80, s7;
	s5 =	sand.u32 $0x3FFFFC00, s24  }
0x78: {  	s25 =	sadd.s32 s7, s13;
	s11 =	sor.u32 s2, s5;
	s2 =	sand.u32 $0x70, s8  }
0x79: {  	s5 =	sadd.s32 s2, s25;
	v1 =	vld.idx.msk [tilespmem:v7+s3+$0x0], $0xffff  }
0x7a: {  	v2 =	vld [tilespmem:s5+$0x0];
	_ =	sdelay $0x3  }
0x7b: {  	v3 =	vld.idx.msk [tilespmem:v0+s3+$0x0], $0xffff;
	[tilespmem:s11+$0xEF40] =	vst v1  }
0x7c: {  	v1 =	vld.idx.msk [tilespmem:v7+s16+$0x0], $0xffff  }
0x7d: {  	s26 =	simm.s32 $0x80  }
0x7e: {  	s29 =	simm.s32 $0x30;
	s5 =	sand.u32 $0x3FFFFC00, s26  }
0x7f: {  	s7 =	sand.u32 $0x3FFFFF80, s29;
	s10 =	sor.u32 s6, s5;
	v5 =	vld.idx.msk [tilespmem:v2+s3+$0x0], $0xffff  }
0x80: {  	s4 =	simm.s32 $0x30;
	s12 =	sadd.s32 s7, s13;
	[tilespmem:s10+$0xEF40] =	vst v3  }
0x81: {  	s15 =	simm.s32 $0x40;
	s25 =	simm.s32 $0x100;
	s5 =	sand.u32 $0x70, s4;
	v3 =	vld.idx.msk [tilespmem:v0+s16+$0x0], $0xffff;
	[tilespmem:s11+$0xEFC0] =	vst v1  }
0x82: {  	s24 =	simm.s32 $0x40;
	s8 =	sand.u32 $0x3FFFFC00, s25;
	s6 =	sadd.s32 s5, s12;
	v4 =	vld.idx.msk [tilespmem:v7+s17+$0x0], $0xffff  }
0x83: {  	s7 =	sand.u32 $0x70, s24;
	s24 =	sor.u32 s2, s8;
	v1 =	vld [tilespmem:s6+$0x0];
	s6 =	sand.u32 $0x3FFFFF80, s15  }
0x84: {  	[tilespmem:s24+$0xEF40] =	vst v5;
	s6 =	sadd.s32 s6, s13  }
0x85: {  	v5 =	vld.idx.msk [tilespmem:v2+s16+$0x0], $0xffff;
	s6 =	sadd.s32 s7, s6  }
0x86: {  	[tilespmem:s10+$0xEFC0] =	vst v3;
	v3 =	vld [tilespmem:s6+$0x0]  }
0x87: {  	v6 =	vld.idx.msk [tilespmem:v0+s17+$0x0], $0xffff;
	[tilespmem:s11+$0xF040] =	vst v4  }
0x88: {  	v4 =	vld.idx.msk [tilespmem:v7+s18+$0x0], $0xffff;
	_ =	sdelay $0x2  }
0x89: {  	s26 =	simm.s32 $0x50;
	[tilespmem:s24+$0xEFC0] =	vst v5;
	v8 =	vld.idx.msk [tilespmem:v1+s3+$0x0], $0xffff  }
0x8a: {  	s29 =	simm.s32 $0x50;
	s2 =	sand.u32 $0x3FFFFF80, s26;
	s4 =	simm.s32 $0x180;
	v10 =	vld.idx.msk [tilespmem:v2+s17+$0x0], $0xffff;
	[tilespmem:s10+$0xF040] =	vst v6  }
0x8b: {  	s25 =	sand.u32 $0x70, s29;
	s2 =	sadd.s32 s2, s13;
	s6 =	sand.u32 $0x3FFFFC00, s4;
	v6 =	vld.idx.msk [tilespmem:v0+s18+$0x0], $0xffff;
	[tilespmem:s11+$0xF0C0] =	vst v4  }
0x8c: {  	s2 =	sadd.s32 s25, s2;
	s12 =	sor.u32 s5, s6;
	s6 =	simm.s32 $0x60;
	v9 =	vld.idx.msk [tilespmem:v7+s19+$0x0], $0xffff  }
0x8d: {  	s8 =	simm.s32 $0x60;
	v4 =	vld [tilespmem:s2+$0x0];
	s2 =	sand.u32 $0x3FFFFF80, s6  }
0x8e: {  	v11 =	vld.idx.msk [tilespmem:v3+s3+$0x0], $0xffff;
	s6 =	sand.u32 $0x70, s8;
	[tilespmem:s12+$0xEF40] =	vst v8;
	s2 =	sadd.s32 s2, s13  }
0x8f: {  	v8 =	vld.idx.msk [tilespmem:v1+s16+$0x0], $0xffff;
	s2 =	sadd.s32 s6, s2  }
0x90: {  	s15 =	simm.s32 $0x200;
	[tilespmem:s10+$0xF0C0] =	vst v6;
	v5 =	vld [tilespmem:s2+$0x0]  }
0x91: {  	s2 =	sand.u32 $0x3FFFFC00, s15;
	v6 =	vld.idx.msk [tilespmem:v0+s19+$0x0], $0xffff;
	[tilespmem:s11+$0xF140] =	vst v9  }
0x92: {  	[tilespmem:s24+$0xF040] =	vst v10;
	s15 =	sor.u32 s7, s2;
	v9 =	vld.idx.msk [tilespmem:v7+s20+$0x0], $0xffff  }
0x93: {  	v10 =	vld.idx.msk [tilespmem:v2+s18+$0x0], $0xffff;
	[tilespmem:s15+$0xEF40] =	vst v11  }
0x94: {  	v11 =	vld.idx.msk [tilespmem:v3+s16+$0x0], $0xffff;
	[tilespmem:s12+$0xEFC0] =	vst v8  }
0x95: {  	s26 =	simm.s32 $0x70;
	v8 =	vld.idx.msk [tilespmem:v1+s17+$0x0], $0xffff  }
0x96: {  	s8 =	simm.s32 $0x70;
	s2 =	sand.u32 $0x3FFFFF80, s26;
	v16 =	vld.idx.msk [tilespmem:v4+s3+$0x0], $0xffff;
	[tilespmem:s10+$0xF140] =	vst v6  }
0x97: {  	s7 =	sand.u32 $0x70, s8;
	s2 =	sadd.s32 s2, s13;
	v12 =	vld.idx.msk [tilespmem:v0+s20+$0x0], $0xffff;
	[tilespmem:s11+$0xF1C0] =	vst v9  }
0x98: {  	s29 =	simm.s32 $0x280;
	[tilespmem:s24+$0xF0C0] =	vst v10;
	s2 =	sadd.s32 s7, s2;
	v9 =	vld.idx.msk [tilespmem:v7+s21+$0x0], $0xffff  }
0x99: {  	v6 =	vld [tilespmem:s2+$0x0];
	s2 =	sand.u32 $0x3FFFFC00, s29;
	[tilespmem:s15+$0xEFC0] =	vst v11  }
0x9a: {  	v14 =	vld.idx.msk [tilespmem:v2+s19+$0x0], $0xffff;
	s5 =	sor.u32 s25, s2;
	[tilespmem:s12+$0xF040] =	vst v8  }
0x9b: {  	v18 =	vmov v4;
	v17 =	vld.idx.msk [tilespmem:v3+s17+$0x0], $0xffff;
	[tilespmem:s5+$0xEF40] =	vst v16  }
0x9c: {  	v15 =	vld.idx.msk [tilespmem:v1+s18+$0x0], $0xffff;
	[tilespmem:s10+$0xF1C0] =	vst v12  }
0x9d: {  	v19 =	vmov v4;
	v20 =	vmov v5;
	v10 =	vmov v5;
	v16 =	vld.idx.msk [tilespmem:v0+s21+$0x0], $0xffff;
	[tilespmem:s11+$0xF240] =	vst v9  }
0x9e: {  	s28 =	simm.s32 $0x6;
	s25 =	simm.s32 $0x7;
	s2 =	simm.s32 $0x8;
	v11 =	vmovc v2;
	v8 =	vmovc v4;
	v12 =	vmov v2;
	v9 =	vmov v1;
	v13 =	vld.idx.msk [tilespmem:v7+s22+$0x0], $0xffff;
	v7 =	vmov v3  }
.LBB2_8:
0x9f: {  	v21 =	vmovc v1;
	v1 =	vmovc v3;
	v3 =	vmov v4;
	v4 =	vmov v5;
	v5 =	vmov v6  }
0xa0: {  	s26 =	sshll.u32 s2, $0x4;
	p1 =	sne.s32 s2, $0x67;
	v23 =	vmov v6;
	v22 =	vld.idx.msk [tilespmem:v18+s16+$0x0], $0xffff;
	[tilespmem:s24+$0xF140] =	vst v14;
	v18 =	vmov v4  }
0xa1: {  	s8 =	sadd.s32 $0x10, s8;
	s26 =	sand.u32 $0x3FFFFF80, s26;
	v24 =	vld.idx.msk [tilespmem:v2+s20+$0x0], $0xffff;
	v2 =	vmov v21  }
0xa2: {  	s4 =	sand.u32 $0x70, s8;
	s26 =	sadd.s32 s26, s13;
	v25 =	vld.idx.msk [tilespmem:v20+s3+$0x0], $0xffff;
	[tilespmem:s12+$0xF0C0] =	vst v15;
	v20 =	vmov v6  }
0xa3: {  	s26 =	sadd.s32 s4, s26;
	v14 =	vld.idx.msk [tilespmem:v9+s19+$0x0], $0xffff;
	[tilespmem:s11+$0xF2C0] =	vst v13;
	s11 =	smov.u32 s10;
	s10 =	smov.u32 s24  }
.Ltmp5:
0xa4: {  	s24 =	smov.u32 s12;
	s12 =	smov.u32 s15;
	v6 =	vld [tilespmem:s26+$0x0];
	[tilespmem:s15+$0xF040] =	vst v17;
	(pc) =	sbr.rel @p1 .LBB2_8-.Ltmp5, $4  }
0xa5: {  	s26 =	sshll.u32 s28, $0x7;
	s15 =	smov.u32 s5;
	s28 =	smov.u32 s25;
	v15 =	vld.idx.msk [tilespmem:v7+s18+$0x0], $0xffff;
	[tilespmem:s11+$0xF240] =	vst v16  }
0xa6: {  	s25 =	smov.u32 s2;
	s5 =	sand.u32 $0x3FFFFC00, s26;
	[tilespmem:s15+$0xEFC0] =	vst v22;
	v13 =	vld.idx.msk [tilespmem:v0+s22+$0x0], $0xffff;
	v0 =	vmovc v11;
	v11 =	vmovc v9;
	v9 =	vmov v7;
	v7 =	vmov v8;
	v8 =	vmov v10  }
0xa7: {  	s5 =	sor.u32 s6, s5;
	v10 =	vmov v23;
	s6 =	smov.u32 s7;
	s7 =	smov.u32 s4;
	v17 =	vld.idx.msk [tilespmem:v19+s17+$0x0], $0xffff;
	[tilespmem:s10+$0xF1C0] =	vst v24;
	v19 =	vmov v4  }
0xa8: {  	s2 =	sadd.s32 $0x1, s2;
	[tilespmem:s5+$0xEF40] =	vst v25;
	v16 =	vld.idx.msk [tilespmem:v12+s21+$0x0], $0xffff;
	v12 =	vmov v21  }
0xa9: {  	_ =	sdelay $0x3  }
0xaa: {  	v20 =	vld.idx.msk [tilespmem:v20+s3+$0x0], $0xffff  }
0xab: {  	v21 =	vld.idx.msk [tilespmem:v6+s3+$0x0], $0xffff  }
0xac: {  	s2 =	sshll.u32 s28, $0x7  }
0xad: {  	s4 =	sshll.u32 s25, $0x7;
	s2 =	sand.u32 $0x3FFFFC00, s2  }
0xae: {  	s4 =	sand.u32 $0x3FFFFC00, s4;
	s2 =	sor.u32 s6, s2  }
0xaf: {  	v18 =	vld.idx.msk [tilespmem:v18+s16+$0x0], $0xffff;
	s8 =	sor.u32 s7, s4;
	[tilespmem:s2+$0xEF40] =	vst v20  }
0xb0: {  	[tilespmem:s8+$0xEF40] =	vst v21;
	v20 =	vld.idx.msk [tilespmem:v5+s16+$0x0], $0xffff  }
0xb1: {  	v21 =	vld.idx.msk [tilespmem:v6+s16+$0x0], $0xffff;
	_ =	sdelay $0x1  }
0xb2: {  	[tilespmem:s24+$0xF140] =	vst v14  }
0xb3: {  	[tilespmem:s5+$0xEFC0] =	vst v18  }
0xb4: {  	v18 =	vld.idx.msk [tilespmem:v19+s17+$0x0], $0xffff;
	[tilespmem:s2+$0xEFC0] =	vst v20  }
0xb5: {  	[tilespmem:s8+$0xEFC0] =	vst v21;
	v19 =	vld.idx.msk [tilespmem:v5+s17+$0x0], $0xffff  }
0xb6: {  	[tilespmem:s15+$0xF040] =	vst v17;
	v14 =	vld.idx.msk [tilespmem:v6+s17+$0x0], $0xffff  }
0xb7: {  	[tilespmem:s12+$0xF0C0] =	vst v15;
	v15 =	vld.idx.msk [tilespmem:v7+s18+$0x0], $0xffff  }
0xb8: {  	[tilespmem:s11+$0xF2C0] =	vst v13  }
0xb9: {  	v2 =	vld.idx.msk [tilespmem:v2+s20+$0x0], $0xffff;
	[tilespmem:s5+$0xF040] =	vst v18  }
0xba: {  	v17 =	vld.idx.msk [tilespmem:v8+s18+$0x0], $0xffff;
	[tilespmem:s2+$0xF040] =	vst v19  }
0xbb: {  	[tilespmem:s8+$0xF040] =	vst v14;
	v18 =	vld.idx.msk [tilespmem:v10+s18+$0x0], $0xffff  }
0xbc: {  	[tilespmem:s15+$0xF0C0] =	vst v15;
	v13 =	vld.idx.msk [tilespmem:v6+s18+$0x0], $0xffff  }
0xbd: {  	[tilespmem:s10+$0xF240] =	vst v16;
	v15 =	vld.idx.msk [tilespmem:v7+s19+$0x0], $0xffff  }
0xbe: {  	[tilespmem:s24+$0xF1C0] =	vst v2;
	v14 =	vld.idx.msk [tilespmem:v9+s19+$0x0], $0xffff  }
0xbf: {  	v0 =	vld.idx.msk [tilespmem:v0+s22+$0x0], $0xffff;
	[tilespmem:s5+$0xF0C0] =	vst v17  }
0xc0: {  	v16 =	vld.idx.msk [tilespmem:v8+s19+$0x0], $0xffff;
	[tilespmem:s2+$0xF0C0] =	vst v18  }
0xc1: {  	[tilespmem:s8+$0xF0C0] =	vst v13;
	v17 =	vld.idx.msk [tilespmem:v10+s19+$0x0], $0xffff  }
0xc2: {  	[tilespmem:s15+$0xF140] =	vst v15;
	v2 =	vld.idx.msk [tilespmem:v6+s19+$0x0], $0xffff  }
0xc3: {  	[tilespmem:s12+$0xF140] =	vst v14;
	v14 =	vld.idx.msk [tilespmem:v3+s20+$0x0], $0xffff  }
0xc4: {  	[tilespmem:s10+$0xF2C0] =	vst v0  }
0xc5: {  	v13 =	vld.idx.msk [tilespmem:v1+s20+$0x0], $0xffff;
	[tilespmem:s5+$0xF140] =	vst v16  }
0xc6: {  	v15 =	vld.idx.msk [tilespmem:v4+s20+$0x0], $0xffff;
	[tilespmem:s2+$0xF140] =	vst v17  }
0xc7: {  	[tilespmem:s8+$0xF140] =	vst v2;
	v16 =	vld.idx.msk [tilespmem:v5+s20+$0x0], $0xffff  }
0xc8: {  	[tilespmem:s15+$0xF1C0] =	vst v14;
	v0 =	vld.idx.msk [tilespmem:v6+s20+$0x0], $0xffff  }
0xc9: {  	v3 =	vld.idx.msk [tilespmem:v3+s21+$0x0], $0xffff  }
0xca: {  	[tilespmem:s12+$0xF1C0] =	vst v13;
	v2 =	vld.idx.msk [tilespmem:v12+s21+$0x0], $0xffff  }
0xcb: {  	v1 =	vld.idx.msk [tilespmem:v1+s21+$0x0], $0xffff;
	[tilespmem:s5+$0xF1C0] =	vst v15  }
0xcc: {  	v4 =	vld.idx.msk [tilespmem:v4+s21+$0x0], $0xffff;
	[tilespmem:s2+$0xF1C0] =	vst v16  }
0xcd: {  	[tilespmem:s8+$0xF1C0] =	vst v0;
	v5 =	vld.idx.msk [tilespmem:v5+s21+$0x0], $0xffff  }
0xce: {  	[tilespmem:s15+$0xF240] =	vst v3;
	v0 =	vld.idx.msk [tilespmem:v6+s21+$0x0], $0xffff  }
0xcf: {  	[tilespmem:s24+$0xF240] =	vst v2;
	v3 =	vld.idx.msk [tilespmem:v7+s22+$0x0], $0xffff  }
0xd0: {  	[tilespmem:s12+$0xF240] =	vst v1;
	v2 =	vld.idx.msk [tilespmem:v11+s22+$0x0], $0xffff  }
0xd1: {  	v1 =	vld.idx.msk [tilespmem:v9+s22+$0x0], $0xffff;
	[tilespmem:s5+$0xF240] =	vst v4  }
0xd2: {  	v4 =	vld.idx.msk [tilespmem:v8+s22+$0x0], $0xffff;
	[tilespmem:s2+$0xF240] =	vst v5  }
0xd3: {  	[tilespmem:s8+$0xF240] =	vst v0;
	v5 =	vld.idx.msk [tilespmem:v10+s22+$0x0], $0xffff  }
0xd4: {  	[tilespmem:s15+$0xF2C0] =	vst v3;
	v0 =	vld.idx.msk [tilespmem:v6+s22+$0x0], $0xffff  }
0xd5: {  	[tilespmem:s24+$0xF2C0] =	vst v2  }
0xd6: {  	s13 =	sshll.u32 s9, $0xC;
	[tilespmem:s12+$0xF2C0] =	vst v1  }
0xd7: {  	s4 =	sadd.s32 s14, s13;
	[tilespmem:s5+$0xF2C0] =	vst v4  }
0xd8: {  	s15 =	sshrl.u32 s4, $0x3;
	[tilespmem:s2+$0xF2C0] =	vst v5  }
0xd9: {  	s24 =	simm.s32 $0xEF40;
	[tilespmem:s8+$0xF2C0] =	vst v0;
	s2 =	sadd.s32 s1, s15  }
0xda: {  	[hbm4b:s2+s31] =	stream.strided.scatter [tilespmem:s24], [sflag:$0x3], $0x3400, s0, s31, $0x38;
	[tilespmem:$0x1BF40] =	vst v63  }
0xdb: {  	s24 =	sor.u32 $0x1, s23  }
0xdc: {  	s25 =	smul.u32 $0x1A00, s24  }
0xdd: {  	s26 =	simm.s32 $0x0  }
0xde: {  	s29 =	simm.s32 $0x0;
	s4 =	simm.s32 @!p0 $0x4;
	s2 =	sshra.s32 s25, $0x2  }
0xdf: {  	s5 =	sand.u32 $0x3FFFFF80, s26;
	_ =	swait.ge @!p0 [sflag:s4], $0x3400;
	s15 =	sadd.s32 $0x1F40, s2  }
0xe0: {  	[sflag:s4] =	ssyncset.done @!p0 $0x0;
	s2 =	sand.u32 $0x70, s29;
	s5 =	sadd.s32 s5, s15  }
0xe1: {  	[sflag:s4] =	ssyncadd.s32 @!p0 $0xFFFFCC00;
	s5 =	sadd.s32 s2, s5  }
0xe2: {  	s6 =	simm.s32 $0x10;
	v7 =	vld [tilespmem:s5+$0x0]  }
0xe3: {  	s7 =	simm.s32 $0x10;
	s4 =	sand.u32 $0x3FFFFF80, s6  }
0xe4: {  	s4 =	sadd.s32 s4, s15;
	s5 =	sand.u32 $0x70, s7  }
0xe5: {  	s4 =	sadd.s32 s5, s4  }
0xe6: {  	v0 =	vld [tilespmem:s4+$0x0]  }
0xe7: {  	s10 =	simm.s32 $0x20;
	s8 =	simm.s32 $0x0  }
0xe8: {  	s11 =	simm.s32 $0x20;
	s6 =	sand.u32 $0x3FFFFF80, s10;
	s4 =	sand.u32 $0x3FFFFC00, s8  }
0xe9: {  	s13 =	sadd.s32 s6, s15;
	s12 =	sor.u32 s2, s4;
	s2 =	sand.u32 $0x70, s11  }
0xea: {  	s4 =	sadd.s32 s2, s13;
	v1 =	vld.idx.msk [tilespmem:v7+s3+$0x0], $0xffff  }
0xeb: {  	v2 =	vld [tilespmem:s4+$0x0];
	_ =	sdelay $0x2  }
0xec: {  	v3 =	vld.idx.msk [tilespmem:v0+s3+$0x0], $0xffff  }
0xed: {  	[tilespmem:s12+$0x12340] =	vst v1  }
0xee: {  	s25 =	simm.s32 $0x80;
	v1 =	vld.idx.msk [tilespmem:v7+s16+$0x0], $0xffff  }
0xef: {  	s4 =	sand.u32 $0x3FFFFC00, s25  }
0xf0: {  	s11 =	sor.u32 s5, s4  }
0xf1: {  	s26 =	simm.s32 $0x30;
	v5 =	vld.idx.msk [tilespmem:v2+s3+$0x0], $0xffff;
	[tilespmem:s11+$0x12340] =	vst v3  }
0xf2: {  	s29 =	simm.s32 $0x30;
	s6 =	sand.u32 $0x3FFFFF80, s26;
	v3 =	vld.idx.msk [tilespmem:v0+s16+$0x0], $0xffff  }
0xf3: {  	s7 =	sadd.s32 s6, s15;
	s13 =	simm.s32 $0x100;
	s4 =	sand.u32 $0x70, s29;
	[tilespmem:s12+$0x123C0] =	vst v1  }
0xf4: {  	s10 =	simm.s32 $0x40;
	s5 =	sadd.s32 s4, s7;
	s7 =	sand.u32 $0x3FFFFC00, s13;
	v4 =	vld.idx.msk [tilespmem:v7+s17+$0x0], $0xffff  }
0xf5: {  	s6 =	sand.u32 $0x70, s10;
	s8 =	simm.s32 $0x40;
	s10 =	sor.u32 s2, s7;
	v1 =	vld [tilespmem:s5+$0x0]  }
0xf6: {  	[tilespmem:s10+$0x12340] =	vst v5;
	s5 =	sand.u32 $0x3FFFFF80, s8  }
0xf7: {  	v5 =	vld.idx.msk [tilespmem:v2+s16+$0x0], $0xffff;
	s5 =	sadd.s32 s5, s15;
	[tilespmem:s11+$0x123C0] =	vst v3  }
0xf8: {  	s5 =	sadd.s32 s6, s5;
	v6 =	vld.idx.msk [tilespmem:v0+s17+$0x0], $0xffff  }
0xf9: {  	v3 =	vld [tilespmem:s5+$0x0];
	[tilespmem:s12+$0x12440] =	vst v4  }
0xfa: {  	v4 =	vld.idx.msk [tilespmem:v7+s18+$0x0], $0xffff;
	_ =	sdelay $0x2  }
0xfb: {  	v8 =	vld.idx.msk [tilespmem:v1+s3+$0x0], $0xffff;
	[tilespmem:s11+$0x12440] =	vst v6  }
0xfc: {  	s25 =	simm.s32 $0x50;
	[tilespmem:s10+$0x123C0] =	vst v5;
	v6 =	vld.idx.msk [tilespmem:v0+s18+$0x0], $0xffff  }
0xfd: {  	s26 =	simm.s32 $0x50;
	s29 =	simm.s32 $0x180;
	s2 =	sand.u32 $0x3FFFFF80, s25;
	v10 =	vld.idx.msk [tilespmem:v2+s17+$0x0], $0xffff;
	[tilespmem:s12+$0x124C0] =	vst v4  }
0xfe: {  	s25 =	sand.u32 $0x70, s26;
	s2 =	sadd.s32 s2, s15;
	s5 =	sand.u32 $0x3FFFFC00, s29;
	v9 =	vld.idx.msk [tilespmem:v7+s19+$0x0], $0xffff  }
0xff: {  	s2 =	sadd.s32 s25, s2;
	s13 =	sor.u32 s4, s5;
	s5 =	simm.s32 $0x60;
	v11 =	vld.idx.msk [tilespmem:v3+s3+$0x0], $0xffff  }
0x100: {  	s7 =	simm.s32 $0x60;
	v4 =	vld [tilespmem:s2+$0x0];
	s2 =	sand.u32 $0x3FFFFF80, s5;
	[tilespmem:s13+$0x12340] =	vst v8  }
0x101: {  	s7 =	sand.u32 $0x70, s7;
	s2 =	sadd.s32 s2, s15;
	v8 =	vld.idx.msk [tilespmem:v1+s16+$0x0], $0xffff;
	[tilespmem:s11+$0x124C0] =	vst v6  }
0x102: {  	s8 =	simm.s32 $0x200;
	s2 =	sadd.s32 s7, s2;
	v6 =	vld.idx.msk [tilespmem:v0+s19+$0x0], $0xffff  }
0x103: {  	v5 =	vld [tilespmem:s2+$0x0];
	s2 =	sand.u32 $0x3FFFFC00, s8;
	[tilespmem:s12+$0x12540] =	vst v9  }
0x104: {  	[tilespmem:s10+$0x12440] =	vst v10;
	s5 =	sor.u32 s6, s2;
	v9 =	vld.idx.msk [tilespmem:v7+s20+$0x0], $0xffff  }
0x105: {  	v10 =	vld.idx.msk [tilespmem:v2+s18+$0x0], $0xffff;
	[tilespmem:s5+$0x12340] =	vst v11  }
0x106: {  	v11 =	vld.idx.msk [tilespmem:v3+s16+$0x0], $0xffff;
	[tilespmem:s13+$0x123C0] =	vst v8  }
0x107: {  	s26 =	simm.s32 $0x70;
	v8 =	vld.idx.msk [tilespmem:v1+s17+$0x0], $0xffff  }
0x108: {  	s28 =	simm.s32 $0x70;
	s2 =	sand.u32 $0x3FFFFF80, s26;
	[tilespmem:s11+$0x12540] =	vst v6;
	v16 =	vld.idx.msk [tilespmem:v4+s3+$0x0], $0xffff  }
0x109: {  	s8 =	sand.u32 $0x70, s28;
	s2 =	sadd.s32 s2, s15;
	v12 =	vld.idx.msk [tilespmem:v0+s20+$0x0], $0xffff;
	[tilespmem:s12+$0x125C0] =	vst v9  }
0x10a: {  	s29 =	simm.s32 $0x280;
	[tilespmem:s10+$0x124C0] =	vst v10;
	s2 =	sadd.s32 s8, s2;
	v9 =	vld.idx.msk [tilespmem:v7+s21+$0x0], $0xffff  }
0x10b: {  	v6 =	vld [tilespmem:s2+$0x0];
	s2 =	sand.u32 $0x3FFFFC00, s29;
	[tilespmem:s5+$0x123C0] =	vst v11  }
0x10c: {  	v14 =	vld.idx.msk [tilespmem:v2+s19+$0x0], $0xffff;
	s6 =	sor.u32 s25, s2;
	[tilespmem:s13+$0x12440] =	vst v8  }
0x10d: {  	v18 =	vmov v4;
	v17 =	vld.idx.msk [tilespmem:v3+s17+$0x0], $0xffff;
	[tilespmem:s6+$0x12340] =	vst v16  }
0x10e: {  	v15 =	vld.idx.msk [tilespmem:v1+s18+$0x0], $0xffff;
	[tilespmem:s11+$0x125C0] =	vst v12  }
0x10f: {  	v19 =	vmov v4;
	v20 =	vmov v5;
	v10 =	vmov v5;
	v16 =	vld.idx.msk [tilespmem:v0+s21+$0x0], $0xffff;
	[tilespmem:s12+$0x12640] =	vst v9  }
0x110: {  	s26 =	simm.s32 $0x7;
	s2 =	simm.s32 $0x6;
	s25 =	simm.s32 $0x8;
	v11 =	vmovc v2;
	v8 =	vmovc v4;
	v12 =	vmov v2;
	v9 =	vmov v1;
	v13 =	vld.idx.msk [tilespmem:v7+s22+$0x0], $0xffff;
	v7 =	vmov v3  }
.LBB2_10:
0x111: {  	v21 =	vmovc v1;
	v1 =	vmovc v3;
	v3 =	vmov v4;
	v4 =	vmov v5;
	v5 =	vmov v6  }
0x112: {  	s4 =	sshll.u32 s25, $0x4;
	p1 =	sne.s32 s25, $0x67;
	v23 =	vmov v6;
	v22 =	vld.idx.msk [tilespmem:v18+s16+$0x0], $0xffff;
	[tilespmem:s10+$0x12540] =	vst v14;
	v18 =	vmov v4  }
0x113: {  	s28 =	sadd.s32 $0x10, s28;
	s4 =	sand.u32 $0x3FFFFF80, s4;
	v24 =	vld.idx.msk [tilespmem:v2+s20+$0x0], $0xffff;
	v2 =	vmov v21  }
0x114: {  	s29 =	sand.u32 $0x70, s28;
	s4 =	sadd.s32 s4, s15;
	v25 =	vld.idx.msk [tilespmem:v20+s3+$0x0], $0xffff;
	[tilespmem:s13+$0x124C0] =	vst v15;
	v20 =	vmov v6  }
0x115: {  	s4 =	sadd.s32 s29, s4;
	v14 =	vld.idx.msk [tilespmem:v9+s19+$0x0], $0xffff;
	[tilespmem:s12+$0x126C0] =	vst v13;
	s12 =	smov.u32 s11;
	s11 =	smov.u32 s10  }
.Ltmp6:
0x116: {  	s10 =	smov.u32 s13;
	s13 =	smov.u32 s5;
	v6 =	vld [tilespmem:s4+$0x0];
	[tilespmem:s5+$0x12440] =	vst v17;
	(pc) =	sbr.rel @p1 .LBB2_10-.Ltmp6, $4  }
0x117: {  	s4 =	sshll.u32 s2, $0x7;
	s5 =	smov.u32 s6;
	s2 =	smov.u32 s26;
	v15 =	vld.idx.msk [tilespmem:v7+s18+$0x0], $0xffff;
	[tilespmem:s12+$0x12640] =	vst v16  }
0x118: {  	s26 =	smov.u32 s25;
	s4 =	sand.u32 $0x3FFFFC00, s4;
	[tilespmem:s5+$0x123C0] =	vst v22;
	v13 =	vld.idx.msk [tilespmem:v0+s22+$0x0], $0xffff;
	v0 =	vmovc v11;
	v11 =	vmovc v9;
	v9 =	vmov v7;
	v7 =	vmov v8;
	v8 =	vmov v10  }
0x119: {  	s6 =	sor.u32 s7, s4;
	v10 =	vmov v23;
	s7 =	smov.u32 s8;
	s8 =	smov.u32 s29;
	v17 =	vld.idx.msk [tilespmem:v19+s17+$0x0], $0xffff;
	[tilespmem:s11+$0x125C0] =	vst v24;
	v19 =	vmov v4  }
0x11a: {  	s25 =	sadd.s32 $0x1, s25;
	[tilespmem:s6+$0x12340] =	vst v25;
	v16 =	vld.idx.msk [tilespmem:v12+s21+$0x0], $0xffff;
	v12 =	vmov v21  }
0x11b: {  	_ =	sdelay $0x3  }
0x11c: {  	v20 =	vld.idx.msk [tilespmem:v20+s3+$0x0], $0xffff  }
0x11d: {  	v21 =	vld.idx.msk [tilespmem:v6+s3+$0x0], $0xffff  }
0x11e: {  	s2 =	sshll.u32 s2, $0x7  }
0x11f: {  	s4 =	sshll.u32 s26, $0x7;
	s2 =	sand.u32 $0x3FFFFC00, s2  }
0x120: {  	s4 =	sand.u32 $0x3FFFFC00, s4;
	s2 =	sor.u32 s7, s2  }
0x121: {  	v18 =	vld.idx.msk [tilespmem:v18+s16+$0x0], $0xffff;
	s8 =	sor.u32 s8, s4;
	[tilespmem:s2+$0x12340] =	vst v20  }
0x122: {  	[tilespmem:s8+$0x12340] =	vst v21;
	v20 =	vld.idx.msk [tilespmem:v5+s16+$0x0], $0xffff  }
0x123: {  	v21 =	vld.idx.msk [tilespmem:v6+s16+$0x0], $0xffff;
	_ =	sdelay $0x1  }
0x124: {  	[tilespmem:s10+$0x12540] =	vst v14  }
0x125: {  	[tilespmem:s6+$0x123C0] =	vst v18  }
0x126: {  	v18 =	vld.idx.msk [tilespmem:v19+s17+$0x0], $0xffff;
	[tilespmem:s2+$0x123C0] =	vst v20  }
0x127: {  	[tilespmem:s8+$0x123C0] =	vst v21;
	v19 =	vld.idx.msk [tilespmem:v5+s17+$0x0], $0xffff  }
0x128: {  	[tilespmem:s5+$0x12440] =	vst v17;
	v14 =	vld.idx.msk [tilespmem:v6+s17+$0x0], $0xffff  }
0x129: {  	[tilespmem:s13+$0x124C0] =	vst v15;
	v15 =	vld.idx.msk [tilespmem:v7+s18+$0x0], $0xffff  }
0x12a: {  	[tilespmem:s12+$0x126C0] =	vst v13  }
0x12b: {  	v2 =	vld.idx.msk [tilespmem:v2+s20+$0x0], $0xffff;
	[tilespmem:s6+$0x12440] =	vst v18  }
0x12c: {  	v17 =	vld.idx.msk [tilespmem:v8+s18+$0x0], $0xffff;
	[tilespmem:s2+$0x12440] =	vst v19  }
0x12d: {  	[tilespmem:s8+$0x12440] =	vst v14;
	v18 =	vld.idx.msk [tilespmem:v10+s18+$0x0], $0xffff  }
0x12e: {  	[tilespmem:s5+$0x124C0] =	vst v15;
	v13 =	vld.idx.msk [tilespmem:v6+s18+$0x0], $0xffff  }
0x12f: {  	[tilespmem:s11+$0x12640] =	vst v16;
	v15 =	vld.idx.msk [tilespmem:v7+s19+$0x0], $0xffff  }
0x130: {  	[tilespmem:s10+$0x125C0] =	vst v2;
	v14 =	vld.idx.msk [tilespmem:v9+s19+$0x0], $0xffff  }
0x131: {  	v0 =	vld.idx.msk [tilespmem:v0+s22+$0x0], $0xffff;
	[tilespmem:s6+$0x124C0] =	vst v17  }
0x132: {  	v16 =	vld.idx.msk [tilespmem:v8+s19+$0x0], $0xffff;
	[tilespmem:s2+$0x124C0] =	vst v18  }
0x133: {  	[tilespmem:s8+$0x124C0] =	vst v13;
	v17 =	vld.idx.msk [tilespmem:v10+s19+$0x0], $0xffff  }
0x134: {  	[tilespmem:s5+$0x12540] =	vst v15;
	v2 =	vld.idx.msk [tilespmem:v6+s19+$0x0], $0xffff  }
0x135: {  	[tilespmem:s13+$0x12540] =	vst v14;
	v14 =	vld.idx.msk [tilespmem:v3+s20+$0x0], $0xffff  }
0x136: {  	[tilespmem:s11+$0x126C0] =	vst v0  }
0x137: {  	v13 =	vld.idx.msk [tilespmem:v1+s20+$0x0], $0xffff;
	[tilespmem:s6+$0x12540] =	vst v16  }
0x138: {  	v15 =	vld.idx.msk [tilespmem:v4+s20+$0x0], $0xffff;
	[tilespmem:s2+$0x12540] =	vst v17  }
0x139: {  	[tilespmem:s8+$0x12540] =	vst v2;
	v16 =	vld.idx.msk [tilespmem:v5+s20+$0x0], $0xffff  }
0x13a: {  	[tilespmem:s5+$0x125C0] =	vst v14;
	v0 =	vld.idx.msk [tilespmem:v6+s20+$0x0], $0xffff  }
0x13b: {  	v3 =	vld.idx.msk [tilespmem:v3+s21+$0x0], $0xffff  }
0x13c: {  	[tilespmem:s13+$0x125C0] =	vst v13;
	v2 =	vld.idx.msk [tilespmem:v12+s21+$0x0], $0xffff  }
0x13d: {  	v1 =	vld.idx.msk [tilespmem:v1+s21+$0x0], $0xffff;
	[tilespmem:s6+$0x125C0] =	vst v15  }
0x13e: {  	v4 =	vld.idx.msk [tilespmem:v4+s21+$0x0], $0xffff;
	[tilespmem:s2+$0x125C0] =	vst v16  }
0x13f: {  	[tilespmem:s8+$0x125C0] =	vst v0;
	v5 =	vld.idx.msk [tilespmem:v5+s21+$0x0], $0xffff  }
0x140: {  	[tilespmem:s5+$0x12640] =	vst v3;
	v0 =	vld.idx.msk [tilespmem:v6+s21+$0x0], $0xffff  }
0x141: {  	[tilespmem:s10+$0x12640] =	vst v2;
	v3 =	vld.idx.msk [tilespmem:v7+s22+$0x0], $0xffff  }
0x142: {  	[tilespmem:s13+$0x12640] =	vst v1;
	v2 =	vld.idx.msk [tilespmem:v11+s22+$0x0], $0xffff  }
0x143: {  	v1 =	vld.idx.msk [tilespmem:v9+s22+$0x0], $0xffff;
	[tilespmem:s6+$0x12640] =	vst v4  }
0x144: {  	v4 =	vld.idx.msk [tilespmem:v8+s22+$0x0], $0xffff;
	[tilespmem:s2+$0x12640] =	vst v5  }
0x145: {  	[tilespmem:s8+$0x12640] =	vst v0;
	v5 =	vld.idx.msk [tilespmem:v10+s22+$0x0], $0xffff  }
0x146: {  	[tilespmem:s5+$0x126C0] =	vst v3;
	v0 =	vld.idx.msk [tilespmem:v6+s22+$0x0], $0xffff  }
0x147: {  	[tilespmem:s10+$0x126C0] =	vst v2  }
0x148: {  	[tilespmem:s13+$0x126C0] =	vst v1;
	s13 =	sshll.u32 s24, $0xA  }
0x149: {  	[tilespmem:s6+$0x126C0] =	vst v4;
	s4 =	sadd.s32 s14, s13  }
0x14a: {  	s15 =	sshrl.u32 s4, $0x3;
	[tilespmem:s2+$0x126C0] =	vst v5  }
0x14b: {  	s24 =	simm.s32 $0x12340;
	[tilespmem:s8+$0x126C0] =	vst v0;
	s2 =	sadd.s32 s1, s15  }
0x14c: {  	[hbm4b:s2+s31] =	stream.strided.scatter [tilespmem:s24], [sflag:$0x4], $0x3400, s0, s31, $0x38;
	[tilespmem:$0x1BF40] =	vst v63  }
0x14d: {  	s24 =	sor.u32 $0x2, s23  }
0x14e: {  	s25 =	smul.u32 $0x1A00, s24  }
0x14f: {  	s26 =	simm.s32 $0x0  }
0x150: {  	s29 =	simm.s32 $0x0;
	s4 =	simm.s32 @!p0 $0x5;
	s2 =	sshra.s32 s25, $0x2  }
0x151: {  	s5 =	sand.u32 $0x3FFFFF80, s26;
	_ =	swait.ge @!p0 [sflag:s4], $0x3400;
	s15 =	sadd.s32 $0x1F40, s2  }
0x152: {  	[sflag:s4] =	ssyncset.done @!p0 $0x0;
	s2 =	sand.u32 $0x70, s29;
	s5 =	sadd.s32 s5, s15  }
0x153: {  	[sflag:s4] =	ssyncadd.s32 @!p0 $0xFFFFCC00;
	s5 =	sadd.s32 s2, s5  }
0x154: {  	s6 =	simm.s32 $0x10;
	v7 =	vld [tilespmem:s5+$0x0]  }
0x155: {  	s7 =	simm.s32 $0x10;
	s4 =	sand.u32 $0x3FFFFF80, s6  }
0x156: {  	s4 =	sadd.s32 s4, s15;
	s5 =	sand.u32 $0x70, s7  }
0x157: {  	s4 =	sadd.s32 s5, s4  }
0x158: {  	v0 =	vld [tilespmem:s4+$0x0]  }
0x159: {  	s10 =	simm.s32 $0x20;
	s8 =	simm.s32 $0x0  }
0x15a: {  	s11 =	simm.s32 $0x20;
	s6 =	sand.u32 $0x3FFFFF80, s10;
	s4 =	sand.u32 $0x3FFFFC00, s8  }
0x15b: {  	s13 =	sadd.s32 s6, s15;
	s12 =	sor.u32 s2, s4;
	s2 =	sand.u32 $0x70, s11  }
0x15c: {  	s4 =	sadd.s32 s2, s13;
	v1 =	vld.idx.msk [tilespmem:v7+s3+$0x0], $0xffff  }
0x15d: {  	v2 =	vld [tilespmem:s4+$0x0];
	_ =	sdelay $0x2  }
0x15e: {  	v3 =	vld.idx.msk [tilespmem:v0+s3+$0x0], $0xffff  }
0x15f: {  	[tilespmem:s12+$0x15740] =	vst v1  }
0x160: {  	s25 =	simm.s32 $0x80;
	v1 =	vld.idx.msk [tilespmem:v7+s16+$0x0], $0xffff  }
0x161: {  	s4 =	sand.u32 $0x3FFFFC00, s25  }
0x162: {  	s11 =	sor.u32 s5, s4  }
0x163: {  	s26 =	simm.s32 $0x30;
	v5 =	vld.idx.msk [tilespmem:v2+s3+$0x0], $0xffff;
	[tilespmem:s11+$0x15740] =	vst v3  }
0x164: {  	s29 =	simm.s32 $0x30;
	s6 =	sand.u32 $0x3FFFFF80, s26;
	v3 =	vld.idx.msk [tilespmem:v0+s16+$0x0], $0xffff  }
0x165: {  	s7 =	sadd.s32 s6, s15;
	s13 =	simm.s32 $0x100;
	s4 =	sand.u32 $0x70, s29;
	[tilespmem:s12+$0x157C0] =	vst v1  }
0x166: {  	s10 =	simm.s32 $0x40;
	s5 =	sadd.s32 s4, s7;
	s7 =	sand.u32 $0x3FFFFC00, s13;
	v4 =	vld.idx.msk [tilespmem:v7+s17+$0x0], $0xffff  }
0x167: {  	s6 =	sand.u32 $0x70, s10;
	s8 =	simm.s32 $0x40;
	s10 =	sor.u32 s2, s7;
	v1 =	vld [tilespmem:s5+$0x0]  }
0x168: {  	[tilespmem:s10+$0x15740] =	vst v5;
	s5 =	sand.u32 $0x3FFFFF80, s8  }
0x169: {  	v5 =	vld.idx.msk [tilespmem:v2+s16+$0x0], $0xffff;
	s5 =	sadd.s32 s5, s15;
	[tilespmem:s11+$0x157C0] =	vst v3  }
0x16a: {  	s5 =	sadd.s32 s6, s5;
	v6 =	vld.idx.msk [tilespmem:v0+s17+$0x0], $0xffff  }
0x16b: {  	v3 =	vld [tilespmem:s5+$0x0];
	[tilespmem:s12+$0x15840] =	vst v4  }
0x16c: {  	v4 =	vld.idx.msk [tilespmem:v7+s18+$0x0], $0xffff;
	_ =	sdelay $0x2  }
0x16d: {  	v8 =	vld.idx.msk [tilespmem:v1+s3+$0x0], $0xffff;
	[tilespmem:s11+$0x15840] =	vst v6  }
0x16e: {  	s25 =	simm.s32 $0x50;
	[tilespmem:s10+$0x157C0] =	vst v5;
	v6 =	vld.idx.msk [tilespmem:v0+s18+$0x0], $0xffff  }
0x16f: {  	s26 =	simm.s32 $0x50;
	s29 =	simm.s32 $0x180;
	s2 =	sand.u32 $0x3FFFFF80, s25;
	v10 =	vld.idx.msk [tilespmem:v2+s17+$0x0], $0xffff;
	[tilespmem:s12+$0x158C0] =	vst v4  }
0x170: {  	s25 =	sand.u32 $0x70, s26;
	s2 =	sadd.s32 s2, s15;
	s5 =	sand.u32 $0x3FFFFC00, s29;
	v9 =	vld.idx.msk [tilespmem:v7+s19+$0x0], $0xffff  }
0x171: {  	s2 =	sadd.s32 s25, s2;
	s13 =	sor.u32 s4, s5;
	s5 =	simm.s32 $0x60;
	v11 =	vld.idx.msk [tilespmem:v3+s3+$0x0], $0xffff  }
0x172: {  	s7 =	simm.s32 $0x60;
	v4 =	vld [tilespmem:s2+$0x0];
	s2 =	sand.u32 $0x3FFFFF80, s5;
	[tilespmem:s13+$0x15740] =	vst v8  }
0x173: {  	s7 =	sand.u32 $0x70, s7;
	s2 =	sadd.s32 s2, s15;
	v8 =	vld.idx.msk [tilespmem:v1+s16+$0x0], $0xffff;
	[tilespmem:s11+$0x158C0] =	vst v6  }
0x174: {  	s8 =	simm.s32 $0x200;
	s2 =	sadd.s32 s7, s2;
	v6 =	vld.idx.msk [tilespmem:v0+s19+$0x0], $0xffff  }
0x175: {  	v5 =	vld [tilespmem:s2+$0x0];
	s2 =	sand.u32 $0x3FFFFC00, s8;
	[tilespmem:s12+$0x15940] =	vst v9  }
0x176: {  	[tilespmem:s10+$0x15840] =	vst v10;
	s5 =	sor.u32 s6, s2;
	v9 =	vld.idx.msk [tilespmem:v7+s20+$0x0], $0xffff  }
0x177: {  	v10 =	vld.idx.msk [tilespmem:v2+s18+$0x0], $0xffff;
	[tilespmem:s5+$0x15740] =	vst v11  }
0x178: {  	v11 =	vld.idx.msk [tilespmem:v3+s16+$0x0], $0xffff;
	[tilespmem:s13+$0x157C0] =	vst v8  }
0x179: {  	s26 =	simm.s32 $0x70;
	v8 =	vld.idx.msk [tilespmem:v1+s17+$0x0], $0xffff  }
0x17a: {  	s28 =	simm.s32 $0x70;
	s2 =	sand.u32 $0x3FFFFF80, s26;
	[tilespmem:s11+$0x15940] =	vst v6;
	v16 =	vld.idx.msk [tilespmem:v4+s3+$0x0], $0xffff  }
0x17b: {  	s8 =	sand.u32 $0x70, s28;
	s2 =	sadd.s32 s2, s15;
	v12 =	vld.idx.msk [tilespmem:v0+s20+$0x0], $0xffff;
	[tilespmem:s12+$0x159C0] =	vst v9  }
0x17c: {  	s29 =	simm.s32 $0x280;
	[tilespmem:s10+$0x158C0] =	vst v10;
	s2 =	sadd.s32 s8, s2;
	v9 =	vld.idx.msk [tilespmem:v7+s21+$0x0], $0xffff  }
0x17d: {  	v6 =	vld [tilespmem:s2+$0x0];
	s2 =	sand.u32 $0x3FFFFC00, s29;
	[tilespmem:s5+$0x157C0] =	vst v11  }
0x17e: {  	v14 =	vld.idx.msk [tilespmem:v2+s19+$0x0], $0xffff;
	s6 =	sor.u32 s25, s2;
	[tilespmem:s13+$0x15840] =	vst v8  }
0x17f: {  	v18 =	vmov v4;
	v17 =	vld.idx.msk [tilespmem:v3+s17+$0x0], $0xffff;
	[tilespmem:s6+$0x15740] =	vst v16  }
0x180: {  	v15 =	vld.idx.msk [tilespmem:v1+s18+$0x0], $0xffff;
	[tilespmem:s11+$0x159C0] =	vst v12  }
0x181: {  	v19 =	vmov v4;
	v20 =	vmov v5;
	v10 =	vmov v5;
	v16 =	vld.idx.msk [tilespmem:v0+s21+$0x0], $0xffff;
	[tilespmem:s12+$0x15A40] =	vst v9  }
0x182: {  	s26 =	simm.s32 $0x7;
	s2 =	simm.s32 $0x6;
	s25 =	simm.s32 $0x8;
	v11 =	vmovc v2;
	v8 =	vmovc v4;
	v12 =	vmov v2;
	v9 =	vmov v1;
	v13 =	vld.idx.msk [tilespmem:v7+s22+$0x0], $0xffff;
	v7 =	vmov v3  }
.LBB2_12:
0x183: {  	v21 =	vmovc v1;
	v1 =	vmovc v3;
	v3 =	vmov v4;
	v4 =	vmov v5;
	v5 =	vmov v6  }
0x184: {  	s4 =	sshll.u32 s25, $0x4;
	p1 =	sne.s32 s25, $0x67;
	v23 =	vmov v6;
	v22 =	vld.idx.msk [tilespmem:v18+s16+$0x0], $0xffff;
	[tilespmem:s10+$0x15940] =	vst v14;
	v18 =	vmov v4  }
0x185: {  	s28 =	sadd.s32 $0x10, s28;
	s4 =	sand.u32 $0x3FFFFF80, s4;
	v24 =	vld.idx.msk [tilespmem:v2+s20+$0x0], $0xffff;
	v2 =	vmov v21  }
0x186: {  	s29 =	sand.u32 $0x70, s28;
	s4 =	sadd.s32 s4, s15;
	v25 =	vld.idx.msk [tilespmem:v20+s3+$0x0], $0xffff;
	[tilespmem:s13+$0x158C0] =	vst v15;
	v20 =	vmov v6  }
0x187: {  	s4 =	sadd.s32 s29, s4;
	v14 =	vld.idx.msk [tilespmem:v9+s19+$0x0], $0xffff;
	[tilespmem:s12+$0x15AC0] =	vst v13;
	s12 =	smov.u32 s11;
	s11 =	smov.u32 s10  }
.Ltmp7:
0x188: {  	s10 =	smov.u32 s13;
	s13 =	smov.u32 s5;
	v6 =	vld [tilespmem:s4+$0x0];
	[tilespmem:s5+$0x15840] =	vst v17;
	(pc) =	sbr.rel @p1 .LBB2_12-.Ltmp7, $4  }
0x189: {  	s4 =	sshll.u32 s2, $0x7;
	s5 =	smov.u32 s6;
	s2 =	smov.u32 s26;
	v15 =	vld.idx.msk [tilespmem:v7+s18+$0x0], $0xffff;
	[tilespmem:s12+$0x15A40] =	vst v16  }
0x18a: {  	s26 =	smov.u32 s25;
	s4 =	sand.u32 $0x3FFFFC00, s4;
	[tilespmem:s5+$0x157C0] =	vst v22;
	v13 =	vld.idx.msk [tilespmem:v0+s22+$0x0], $0xffff;
	v0 =	vmovc v11;
	v11 =	vmovc v9;
	v9 =	vmov v7;
	v7 =	vmov v8;
	v8 =	vmov v10  }
0x18b: {  	s6 =	sor.u32 s7, s4;
	v10 =	vmov v23;
	s7 =	smov.u32 s8;
	s8 =	smov.u32 s29;
	v17 =	vld.idx.msk [tilespmem:v19+s17+$0x0], $0xffff;
	[tilespmem:s11+$0x159C0] =	vst v24;
	v19 =	vmov v4  }
0x18c: {  	s25 =	sadd.s32 $0x1, s25;
	[tilespmem:s6+$0x15740] =	vst v25;
	v16 =	vld.idx.msk [tilespmem:v12+s21+$0x0], $0xffff;
	v12 =	vmov v21  }
0x18d: {  	_ =	sdelay $0x3  }
0x18e: {  	v20 =	vld.idx.msk [tilespmem:v20+s3+$0x0], $0xffff  }
0x18f: {  	v21 =	vld.idx.msk [tilespmem:v6+s3+$0x0], $0xffff  }
0x190: {  	s2 =	sshll.u32 s2, $0x7  }
0x191: {  	s4 =	sshll.u32 s26, $0x7;
	s2 =	sand.u32 $0x3FFFFC00, s2  }
0x192: {  	s4 =	sand.u32 $0x3FFFFC00, s4;
	s2 =	sor.u32 s7, s2  }
0x193: {  	v18 =	vld.idx.msk [tilespmem:v18+s16+$0x0], $0xffff;
	s8 =	sor.u32 s8, s4;
	[tilespmem:s2+$0x15740] =	vst v20  }
0x194: {  	[tilespmem:s8+$0x15740] =	vst v21;
	v20 =	vld.idx.msk [tilespmem:v5+s16+$0x0], $0xffff  }
0x195: {  	v21 =	vld.idx.msk [tilespmem:v6+s16+$0x0], $0xffff;
	_ =	sdelay $0x1  }
0x196: {  	[tilespmem:s10+$0x15940] =	vst v14  }
0x197: {  	[tilespmem:s6+$0x157C0] =	vst v18  }
0x198: {  	v18 =	vld.idx.msk [tilespmem:v19+s17+$0x0], $0xffff;
	[tilespmem:s2+$0x157C0] =	vst v20  }
0x199: {  	[tilespmem:s8+$0x157C0] =	vst v21;
	v19 =	vld.idx.msk [tilespmem:v5+s17+$0x0], $0xffff  }
0x19a: {  	[tilespmem:s5+$0x15840] =	vst v17;
	v14 =	vld.idx.msk [tilespmem:v6+s17+$0x0], $0xffff  }
0x19b: {  	[tilespmem:s13+$0x158C0] =	vst v15;
	v15 =	vld.idx.msk [tilespmem:v7+s18+$0x0], $0xffff  }
0x19c: {  	[tilespmem:s12+$0x15AC0] =	vst v13  }
0x19d: {  	v2 =	vld.idx.msk [tilespmem:v2+s20+$0x0], $0xffff;
	[tilespmem:s6+$0x15840] =	vst v18  }
0x19e: {  	v17 =	vld.idx.msk [tilespmem:v8+s18+$0x0], $0xffff;
	[tilespmem:s2+$0x15840] =	vst v19  }
0x19f: {  	[tilespmem:s8+$0x15840] =	vst v14;
	v18 =	vld.idx.msk [tilespmem:v10+s18+$0x0], $0xffff  }
0x1a0: {  	[tilespmem:s5+$0x158C0] =	vst v15;
	v13 =	vld.idx.msk [tilespmem:v6+s18+$0x0], $0xffff  }
0x1a1: {  	[tilespmem:s11+$0x15A40] =	vst v16;
	v15 =	vld.idx.msk [tilespmem:v7+s19+$0x0], $0xffff  }
0x1a2: {  	[tilespmem:s10+$0x159C0] =	vst v2;
	v14 =	vld.idx.msk [tilespmem:v9+s19+$0x0], $0xffff  }
0x1a3: {  	v0 =	vld.idx.msk [tilespmem:v0+s22+$0x0], $0xffff;
	[tilespmem:s6+$0x158C0] =	vst v17  }
0x1a4: {  	v16 =	vld.idx.msk [tilespmem:v8+s19+$0x0], $0xffff;
	[tilespmem:s2+$0x158C0] =	vst v18  }
0x1a5: {  	[tilespmem:s8+$0x158C0] =	vst v13;
	v17 =	vld.idx.msk [tilespmem:v10+s19+$0x0], $0xffff  }
0x1a6: {  	[tilespmem:s5+$0x15940] =	vst v15;
	v2 =	vld.idx.msk [tilespmem:v6+s19+$0x0], $0xffff  }
0x1a7: {  	[tilespmem:s13+$0x15940] =	vst v14;
	v14 =	vld.idx.msk [tilespmem:v3+s20+$0x0], $0xffff  }
0x1a8: {  	[tilespmem:s11+$0x15AC0] =	vst v0  }
0x1a9: {  	v13 =	vld.idx.msk [tilespmem:v1+s20+$0x0], $0xffff;
	[tilespmem:s6+$0x15940] =	vst v16  }
0x1aa: {  	v15 =	vld.idx.msk [tilespmem:v4+s20+$0x0], $0xffff;
	[tilespmem:s2+$0x15940] =	vst v17  }
0x1ab: {  	[tilespmem:s8+$0x15940] =	vst v2;
	v16 =	vld.idx.msk [tilespmem:v5+s20+$0x0], $0xffff  }
0x1ac: {  	[tilespmem:s5+$0x159C0] =	vst v14;
	v0 =	vld.idx.msk [tilespmem:v6+s20+$0x0], $0xffff  }
0x1ad: {  	v3 =	vld.idx.msk [tilespmem:v3+s21+$0x0], $0xffff  }
0x1ae: {  	[tilespmem:s13+$0x159C0] =	vst v13;
	v2 =	vld.idx.msk [tilespmem:v12+s21+$0x0], $0xffff  }
0x1af: {  	v1 =	vld.idx.msk [tilespmem:v1+s21+$0x0], $0xffff;
	[tilespmem:s6+$0x159C0] =	vst v15  }
0x1b0: {  	v4 =	vld.idx.msk [tilespmem:v4+s21+$0x0], $0xffff;
	[tilespmem:s2+$0x159C0] =	vst v16  }
0x1b1: {  	[tilespmem:s8+$0x159C0] =	vst v0;
	v5 =	vld.idx.msk [tilespmem:v5+s21+$0x0], $0xffff  }
0x1b2: {  	[tilespmem:s5+$0x15A40] =	vst v3;
	v0 =	vld.idx.msk [tilespmem:v6+s21+$0x0], $0xffff  }
0x1b3: {  	[tilespmem:s10+$0x15A40] =	vst v2;
	v3 =	vld.idx.msk [tilespmem:v7+s22+$0x0], $0xffff  }
0x1b4: {  	[tilespmem:s13+$0x15A40] =	vst v1;
	v2 =	vld.idx.msk [tilespmem:v11+s22+$0x0], $0xffff  }
0x1b5: {  	v1 =	vld.idx.msk [tilespmem:v9+s22+$0x0], $0xffff;
	[tilespmem:s6+$0x15A40] =	vst v4  }
0x1b6: {  	v4 =	vld.idx.msk [tilespmem:v8+s22+$0x0], $0xffff;
	[tilespmem:s2+$0x15A40] =	vst v5  }
0x1b7: {  	[tilespmem:s8+$0x15A40] =	vst v0;
	v5 =	vld.idx.msk [tilespmem:v10+s22+$0x0], $0xffff  }
0x1b8: {  	[tilespmem:s5+$0x15AC0] =	vst v3;
	v0 =	vld.idx.msk [tilespmem:v6+s22+$0x0], $0xffff  }
0x1b9: {  	[tilespmem:s10+$0x15AC0] =	vst v2  }
0x1ba: {  	s11 =	sshll.u32 s24, $0xA;
	[tilespmem:s13+$0x15AC0] =	vst v1  }
0x1bb: {  	s4 =	sadd.s32 s14, s11;
	[tilespmem:s6+$0x15AC0] =	vst v4  }
0x1bc: {  	s23 =	sor.u32 $0x3, s23;
	s25 =	simm.s32 $0x0;
	s12 =	sshrl.u32 s4, $0x3;
	[tilespmem:s2+$0x15AC0] =	vst v5  }
0x1bd: {  	s15 =	smul.u32 $0x1A00, s23;
	s13 =	simm.s32 $0x15740;
	[tilespmem:s8+$0x15AC0] =	vst v0;
	s2 =	sadd.s32 s1, s12  }
0x1be: {  	[hbm4b:s2+s31] =	stream.strided.scatter [tilespmem:s13], [sflag:$0x5], $0x3400, s0, s31, $0x38;
	[tilespmem:$0x1BF40] =	vst v63  }
0x1bf: {  	s24 =	simm.s32 $0x0;
	s4 =	simm.s32 @!p0 $0x6;
	s2 =	sshra.s32 s15, $0x2  }
0x1c0: {  	s5 =	sand.u32 $0x3FFFFF80, s24;
	_ =	swait.ge @!p0 [sflag:s4], $0x3400;
	s15 =	sadd.s32 $0x1F40, s2  }
0x1c1: {  	s2 =	sand.u32 $0x70, s25;
	[sflag:s4] =	ssyncset.done @!p0 $0x0;
	s5 =	sadd.s32 s5, s15  }
0x1c2: {  	[sflag:s4] =	ssyncadd.s32 @!p0 $0xFFFFCC00;
	s26 =	sadd.s32 s2, s5  }
0x1c3: {  	s28 =	simm.s32 $0x10;
	v7 =	vld [tilespmem:s26+$0x0]  }
0x1c4: {  	s29 =	simm.s32 $0x10;
	s4 =	sand.u32 $0x3FFFFF80, s28  }
0x1c5: {  	s5 =	sand.u32 $0x70, s29;
	s4 =	sadd.s32 s4, s15  }
0x1c6: {  	s4 =	sadd.s32 s5, s4  }
0x1c7: {  	v0 =	vld [tilespmem:s4+$0x0]  }
0x1c8: {  	s7 =	simm.s32 $0x20;
	s6 =	simm.s32 $0x0  }
0x1c9: {  	s8 =	simm.s32 $0x20;
	s4 =	sand.u32 $0x3FFFFC00, s6;
	s6 =	sand.u32 $0x3FFFFF80, s7  }
0x1ca: {  	s10 =	sand.u32 $0x70, s8;
	s25 =	sadd.s32 s6, s15  }
0x1cb: {  	s12 =	sor.u32 s2, s4;
	s4 =	sadd.s32 s10, s25;
	v1 =	vld.idx.msk [tilespmem:v7+s3+$0x0], $0xffff  }
0x1cc: {  	v2 =	vld [tilespmem:s4+$0x0];
	_ =	sdelay $0x2  }
0x1cd: {  	v3 =	vld.idx.msk [tilespmem:v0+s3+$0x0], $0xffff  }
0x1ce: {  	[tilespmem:s12+$0x18B40] =	vst v1  }
0x1cf: {  	s26 =	simm.s32 $0x80;
	v1 =	vld.idx.msk [tilespmem:v7+s16+$0x0], $0xffff  }
0x1d0: {  	s4 =	sand.u32 $0x3FFFFC00, s26  }
0x1d1: {  	s11 =	sor.u32 s5, s4  }
0x1d2: {  	s28 =	simm.s32 $0x30;
	v5 =	vld.idx.msk [tilespmem:v2+s3+$0x0], $0xffff;
	[tilespmem:s11+$0x18B40] =	vst v3  }
0x1d3: {  	s29 =	simm.s32 $0x30;
	s6 =	sand.u32 $0x3FFFFF80, s28;
	v3 =	vld.idx.msk [tilespmem:v0+s16+$0x0], $0xffff  }
0x1d4: {  	s8 =	sand.u32 $0x70, s29;
	s13 =	sadd.s32 s6, s15;
	s26 =	simm.s32 $0x100;
	[tilespmem:s12+$0x18BC0] =	vst v1  }
0x1d5: {  	s5 =	sadd.s32 s8, s13;
	s7 =	sand.u32 $0x3FFFFC00, s26;
	v4 =	vld.idx.msk [tilespmem:v7+s17+$0x0], $0xffff  }
0x1d6: {  	s24 =	simm.s32 $0x40;
	s10 =	sor.u32 s10, s7;
	v1 =	vld [tilespmem:s5+$0x0]  }
0x1d7: {  	s25 =	simm.s32 $0x40;
	[tilespmem:s10+$0x18B40] =	vst v5;
	s5 =	sand.u32 $0x3FFFFF80, s24  }
0x1d8: {  	s6 =	sand.u32 $0x70, s25;
	v5 =	vld.idx.msk [tilespmem:v2+s16+$0x0], $0xffff;
	s5 =	sadd.s32 s5, s15;
	[tilespmem:s11+$0x18BC0] =	vst v3  }
0x1d9: {  	s5 =	sadd.s32 s6, s5;
	v6 =	vld.idx.msk [tilespmem:v0+s17+$0x0], $0xffff  }
0x1da: {  	v3 =	vld [tilespmem:s5+$0x0];
	[tilespmem:s12+$0x18C40] =	vst v4  }
0x1db: {  	v4 =	vld.idx.msk [tilespmem:v7+s18+$0x0], $0xffff;
	_ =	sdelay $0x2  }
0x1dc: {  	v8 =	vld.idx.msk [tilespmem:v1+s3+$0x0], $0xffff;
	[tilespmem:s11+$0x18C40] =	vst v6  }
0x1dd: {  	s28 =	simm.s32 $0x50;
	[tilespmem:s10+$0x18BC0] =	vst v5;
	v6 =	vld.idx.msk [tilespmem:v0+s18+$0x0], $0xffff  }
0x1de: {  	s29 =	simm.s32 $0x50;
	s2 =	sand.u32 $0x3FFFFF80, s28;
	s7 =	simm.s32 $0x180;
	v10 =	vld.idx.msk [tilespmem:v2+s17+$0x0], $0xffff;
	[tilespmem:s12+$0x18CC0] =	vst v4  }
0x1df: {  	s25 =	sand.u32 $0x70, s29;
	s2 =	sadd.s32 s2, s15;
	s5 =	sand.u32 $0x3FFFFC00, s7;
	v9 =	vld.idx.msk [tilespmem:v7+s19+$0x0], $0xffff  }
0x1e0: {  	s2 =	sadd.s32 s25, s2;
	s13 =	sor.u32 s8, s5;
	s8 =	simm.s32 $0x60;
	v11 =	vld.idx.msk [tilespmem:v3+s3+$0x0], $0xffff  }
0x1e1: {  	s24 =	simm.s32 $0x60;
	v4 =	vld [tilespmem:s2+$0x0];
	s2 =	sand.u32 $0x3FFFFF80, s8;
	[tilespmem:s13+$0x18B40] =	vst v8  }
0x1e2: {  	s7 =	sand.u32 $0x70, s24;
	s2 =	sadd.s32 s2, s15;
	v8 =	vld.idx.msk [tilespmem:v1+s16+$0x0], $0xffff;
	[tilespmem:s11+$0x18CC0] =	vst v6  }
0x1e3: {  	s26 =	simm.s32 $0x200;
	s2 =	sadd.s32 s7, s2;
	v6 =	vld.idx.msk [tilespmem:v0+s19+$0x0], $0xffff  }
0x1e4: {  	v5 =	vld [tilespmem:s2+$0x0];
	s2 =	sand.u32 $0x3FFFFC00, s26;
	[tilespmem:s12+$0x18D40] =	vst v9  }
0x1e5: {  	[tilespmem:s10+$0x18C40] =	vst v10;
	s5 =	sor.u32 s6, s2;
	v9 =	vld.idx.msk [tilespmem:v7+s20+$0x0], $0xffff  }
0x1e6: {  	v10 =	vld.idx.msk [tilespmem:v2+s18+$0x0], $0xffff;
	[tilespmem:s5+$0x18B40] =	vst v11  }
0x1e7: {  	v11 =	vld.idx.msk [tilespmem:v3+s16+$0x0], $0xffff;
	[tilespmem:s13+$0x18BC0] =	vst v8  }
0x1e8: {  	s28 =	simm.s32 $0x70;
	v8 =	vld.idx.msk [tilespmem:v1+s17+$0x0], $0xffff  }
0x1e9: {  	s24 =	simm.s32 $0x70;
	s2 =	sand.u32 $0x3FFFFF80, s28;
	[tilespmem:s11+$0x18D40] =	vst v6;
	v16 =	vld.idx.msk [tilespmem:v4+s3+$0x0], $0xffff  }
0x1ea: {  	s8 =	sand.u32 $0x70, s24;
	s2 =	sadd.s32 s2, s15;
	v12 =	vld.idx.msk [tilespmem:v0+s20+$0x0], $0xffff;
	[tilespmem:s12+$0x18DC0] =	vst v9  }
0x1eb: {  	s29 =	simm.s32 $0x280;
	[tilespmem:s10+$0x18CC0] =	vst v10;
	s2 =	sadd.s32 s8, s2;
	v9 =	vld.idx.msk [tilespmem:v7+s21+$0x0], $0xffff  }
0x1ec: {  	v6 =	vld [tilespmem:s2+$0x0];
	s2 =	sand.u32 $0x3FFFFC00, s29;
	[tilespmem:s5+$0x18BC0] =	vst v11  }
0x1ed: {  	v14 =	vld.idx.msk [tilespmem:v2+s19+$0x0], $0xffff;
	s6 =	sor.u32 s25, s2;
	[tilespmem:s13+$0x18C40] =	vst v8  }
0x1ee: {  	v18 =	vmov v4;
	v17 =	vld.idx.msk [tilespmem:v3+s17+$0x0], $0xffff;
	[tilespmem:s6+$0x18B40] =	vst v16  }
0x1ef: {  	v15 =	vld.idx.msk [tilespmem:v1+s18+$0x0], $0xffff;
	[tilespmem:s11+$0x18DC0] =	vst v12  }
0x1f0: {  	v19 =	vmov v4;
	v20 =	vmov v5;
	v10 =	vmov v5;
	v16 =	vld.idx.msk [tilespmem:v0+s21+$0x0], $0xffff;
	[tilespmem:s12+$0x18E40] =	vst v9  }
0x1f1: {  	s26 =	simm.s32 $0x7;
	s2 =	simm.s32 $0x6;
	s25 =	simm.s32 $0x8;
	v11 =	vmovc v2;
	v8 =	vmovc v4;
	v12 =	vmov v2;
	v9 =	vmov v1;
	v13 =	vld.idx.msk [tilespmem:v7+s22+$0x0], $0xffff;
	v7 =	vmov v3  }
.LBB2_14:
0x1f2: {  	v21 =	vmovc v1;
	v1 =	vmovc v3;
	v3 =	vmov v4;
	v4 =	vmov v5;
	v5 =	vmov v6  }
0x1f3: {  	s4 =	sshll.u32 s25, $0x4;
	p0 =	sne.s32 s25, $0x67;
	v23 =	vmov v6;
	v22 =	vld.idx.msk [tilespmem:v18+s16+$0x0], $0xffff;
	[tilespmem:s10+$0x18D40] =	vst v14;
	v18 =	vmov v4  }
0x1f4: {  	s24 =	sadd.s32 $0x10, s24;
	s4 =	sand.u32 $0x3FFFFF80, s4;
	v24 =	vld.idx.msk [tilespmem:v2+s20+$0x0], $0xffff;
	v2 =	vmov v21  }
0x1f5: {  	s28 =	sand.u32 $0x70, s24;
	s4 =	sadd.s32 s4, s15;
	v25 =	vld.idx.msk [tilespmem:v20+s3+$0x0], $0xffff;
	[tilespmem:s13+$0x18CC0] =	vst v15;
	v20 =	vmov v6  }
0x1f6: {  	s4 =	sadd.s32 s28, s4;
	v14 =	vld.idx.msk [tilespmem:v9+s19+$0x0], $0xffff;
	[tilespmem:s12+$0x18EC0] =	vst v13;
	s12 =	smov.u32 s11;
	s11 =	smov.u32 s10  }
.Ltmp8:
0x1f7: {  	s10 =	smov.u32 s13;
	s13 =	smov.u32 s5;
	v6 =	vld [tilespmem:s4+$0x0];
	[tilespmem:s5+$0x18C40] =	vst v17;
	(pc) =	sbr.rel @p0 .LBB2_14-.Ltmp8, $4  }
0x1f8: {  	s4 =	sshll.u32 s2, $0x7;
	s5 =	smov.u32 s6;
	s2 =	smov.u32 s26;
	v15 =	vld.idx.msk [tilespmem:v7+s18+$0x0], $0xffff;
	[tilespmem:s12+$0x18E40] =	vst v16  }
0x1f9: {  	s26 =	smov.u32 s25;
	s4 =	sand.u32 $0x3FFFFC00, s4;
	[tilespmem:s5+$0x18BC0] =	vst v22;
	v13 =	vld.idx.msk [tilespmem:v0+s22+$0x0], $0xffff;
	v0 =	vmovc v11;
	v11 =	vmovc v9;
	v9 =	vmov v7;
	v7 =	vmov v8;
	v8 =	vmov v10  }
0x1fa: {  	s6 =	sor.u32 s7, s4;
	v10 =	vmov v23;
	s7 =	smov.u32 s8;
	s8 =	smov.u32 s28;
	v17 =	vld.idx.msk [tilespmem:v19+s17+$0x0], $0xffff;
	[tilespmem:s11+$0x18DC0] =	vst v24;
	v19 =	vmov v4  }
0x1fb: {  	s25 =	sadd.s32 $0x1, s25;
	[tilespmem:s6+$0x18B40] =	vst v25;
	v16 =	vld.idx.msk [tilespmem:v12+s21+$0x0], $0xffff;
	v12 =	vmov v21  }
0x1fc: {  	_ =	sdelay $0x3  }
0x1fd: {  	v20 =	vld.idx.msk [tilespmem:v20+s3+$0x0], $0xffff  }
0x1fe: {  	v21 =	vld.idx.msk [tilespmem:v6+s3+$0x0], $0xffff  }
0x1ff: {  	s2 =	sshll.u32 s2, $0x7  }
0x200: {  	s4 =	sshll.u32 s26, $0x7;
	s2 =	sand.u32 $0x3FFFFC00, s2  }
0x201: {  	s4 =	sand.u32 $0x3FFFFC00, s4;
	s2 =	sor.u32 s7, s2  }
0x202: {  	v18 =	vld.idx.msk [tilespmem:v18+s16+$0x0], $0xffff;
	s25 =	sor.u32 s8, s4;
	[tilespmem:s2+$0x18B40] =	vst v20  }
0x203: {  	[tilespmem:s25+$0x18B40] =	vst v21;
	v20 =	vld.idx.msk [tilespmem:v5+s16+$0x0], $0xffff  }
0x204: {  	v21 =	vld.idx.msk [tilespmem:v6+s16+$0x0], $0xffff;
	_ =	sdelay $0x2  }
0x205: {  	[tilespmem:s6+$0x18BC0] =	vst v18  }
0x206: {  	v18 =	vld.idx.msk [tilespmem:v19+s17+$0x0], $0xffff;
	[tilespmem:s2+$0x18BC0] =	vst v20  }
0x207: {  	[tilespmem:s25+$0x18BC0] =	vst v21;
	v44 =	vld.idx.msk [tilespmem:v5+s17+$0x0], $0xffff  }
0x208: {  	[tilespmem:s10+$0x18D40] =	vst v14;
	v45 =	vld.idx.msk [tilespmem:v6+s17+$0x0], $0xffff  }
0x209: {  	[tilespmem:s13+$0x18CC0] =	vst v15  }
0x20a: {  	[tilespmem:s5+$0x18C40] =	vst v17  }
0x20b: {  	v46 =	vld.idx.msk [tilespmem:v7+s18+$0x0], $0xffff;
	[tilespmem:s6+$0x18C40] =	vst v18  }
0x20c: {  	v47 =	vld.idx.msk [tilespmem:v8+s18+$0x0], $0xffff;
	[tilespmem:s2+$0x18C40] =	vst v44  }
0x20d: {  	[tilespmem:s25+$0x18C40] =	vst v45;
	v48 =	vld.idx.msk [tilespmem:v10+s18+$0x0], $0xffff  }
0x20e: {  	[tilespmem:s12+$0x18EC0] =	vst v13;
	v49 =	vld.idx.msk [tilespmem:v6+s18+$0x0], $0xffff  }
0x20f: {  	v2 =	vld.idx.msk [tilespmem:v2+s20+$0x0], $0xffff;
	[tilespmem:s11+$0x18E40] =	vst v16  }
0x210: {  	v50 =	vld.idx.msk [tilespmem:v9+s19+$0x0], $0xffff;
	[tilespmem:s5+$0x18CC0] =	vst v46  }
0x211: {  	v15 =	vld.idx.msk [tilespmem:v7+s19+$0x0], $0xffff;
	[tilespmem:s6+$0x18CC0] =	vst v47  }
0x212: {  	v51 =	vld.idx.msk [tilespmem:v8+s19+$0x0], $0xffff;
	[tilespmem:s2+$0x18CC0] =	vst v48  }
0x213: {  	[tilespmem:s25+$0x18CC0] =	vst v49;
	v52 =	vld.idx.msk [tilespmem:v10+s19+$0x0], $0xffff  }
0x214: {  	[tilespmem:s10+$0x18DC0] =	vst v2;
	v53 =	vld.idx.msk [tilespmem:v6+s19+$0x0], $0xffff  }
0x215: {  	v0 =	vld.idx.msk [tilespmem:v0+s22+$0x0], $0xffff;
	[tilespmem:s13+$0x18D40] =	vst v50  }
0x216: {  	v54 =	vld.idx.msk [tilespmem:v1+s20+$0x0], $0xffff;
	[tilespmem:s5+$0x18D40] =	vst v15  }
0x217: {  	v55 =	vld.idx.msk [tilespmem:v3+s20+$0x0], $0xffff;
	[tilespmem:s6+$0x18D40] =	vst v51  }
0x218: {  	v56 =	vld.idx.msk [tilespmem:v4+s20+$0x0], $0xffff;
	[tilespmem:s2+$0x18D40] =	vst v52  }
0x219: {  	[tilespmem:s25+$0x18D40] =	vst v53;
	v57 =	vld.idx.msk [tilespmem:v5+s20+$0x0], $0xffff  }
0x21a: {  	[tilespmem:s11+$0x18EC0] =	vst v0;
	v58 =	vld.idx.msk [tilespmem:v6+s20+$0x0], $0xffff  }
0x21b: {  	v59 =	vld.idx.msk [tilespmem:v12+s21+$0x0], $0xffff;
	[tilespmem:s13+$0x18DC0] =	vst v54  }
0x21c: {  	v60 =	vld.idx.msk [tilespmem:v1+s21+$0x0], $0xffff;
	[tilespmem:s5+$0x18DC0] =	vst v55  }
0x21d: {  	v61 =	vld.idx.msk [tilespmem:v3+s21+$0x0], $0xffff;
	[tilespmem:s6+$0x18DC0] =	vst v56  }
0x21e: {  	v62 =	vld.idx.msk [tilespmem:v4+s21+$0x0], $0xffff;
	[tilespmem:s2+$0x18DC0] =	vst v57  }
0x21f: {  	[tilespmem:s25+$0x18DC0] =	vst v58;
	v63 =	vld.idx.msk [tilespmem:v5+s21+$0x0], $0xffff  }
0x220: {  	[tilespmem:s10+$0x18E40] =	vst v59;
	v0 =	vld.idx.msk [tilespmem:v6+s21+$0x0], $0xffff  }
0x221: {  	v2 =	vld.idx.msk [tilespmem:v11+s22+$0x0], $0xffff;
	[tilespmem:s13+$0x18E40] =	vst v60  }
0x222: {  	v1 =	vld.idx.msk [tilespmem:v9+s22+$0x0], $0xffff;
	[tilespmem:s5+$0x18E40] =	vst v61  }
0x223: {  	v3 =	vld.idx.msk [tilespmem:v7+s22+$0x0], $0xffff;
	[tilespmem:s6+$0x18E40] =	vst v62  }
0x224: {  	v4 =	vld.idx.msk [tilespmem:v8+s22+$0x0], $0xffff;
	[tilespmem:s2+$0x18E40] =	vst v63  }
0x225: {  	[tilespmem:s25+$0x18E40] =	vst v0;
	v5 =	vld.idx.msk [tilespmem:v10+s22+$0x0], $0xffff  }
0x226: {  	s9 =	sadd.s32 $0x1, s9;
	[tilespmem:s10+$0x18EC0] =	vst v2;
	v0 =	vld.idx.msk [tilespmem:v6+s22+$0x0], $0xffff  }
0x227: {  	p0 =	sne.s32 s9, $0x8;
	[tilespmem:s13+$0x18EC0] =	vst v1  }
.Ltmp9:
0x228: {  	s26 =	sshll.u32 s23, $0xA;
	[tilespmem:s5+$0x18EC0] =	vst v3;
	(pc) =	sbr.rel @p0 .LBB2_2-.Ltmp9, $4  }
.Ltmp10:
0x229: {  	s4 =	sadd.s32 s14, s26;
	[tilespmem:s6+$0x18EC0] =	vst v4;
	(pc) =	sbr.rel @!p0 .LBB2_16-.Ltmp10, $4  }
0x22a: {  	s28 =	sshrl.u32 s4, $0x3;
	[tilespmem:s2+$0x18EC0] =	vst v5  }
0x22b: {  	s29 =	simm.s32 $0x18B40;
	[tilespmem:s25+$0x18EC0] =	vst v0;
	s2 =	sadd.s32 s1, s28  }
0x22c: {  	[hbm4b:s2+s31] =	stream.strided.scatter [tilespmem:s29], [sflag:$0x6], $0x3400, s0, s31, $0x38;
	[tilespmem:$0x1BF40] =	vst v63  }
0x22d: {  	_ = 	snop  }
.LBB2_18:
.Ltmp11:
0x22e: {  	(pc) =	sbr.rel .LBB2_7-.Ltmp11, $2  }
0x22f: {  	_ =	sdelay $0x2  }
0x230: {  	s23 =	simm.s32 $0x0;
	p0 =	por $0x1, $0x1  }
.LBB2_17:
0x231: {  	_ =	sfence.sel $0x180000  }
0x232: {  	[bflag:$0x0] =	sbarrier.arrive $0xFFFF  }
0x233: {  	_ =	strace $0x90000047  }
0x234: {  	s0 =	stileid.u32;
	[bflag:$0x2] =	sbarrier.arrive $0xFFFF  }
0x235: {  	p0 =	sne.s32 s0, $0x0;
	s0 =	rddreg [dreg:$0x2]  }
0x236: {  	s0 =	sadd.s32 @!p0 $0x100000, s0  }
0x237: {  	[sflag:s0] =	ssyncadd.tile.s32 @!p0 $0x1;
	_ =	shalt  }
.Lfunc_end2:
_tile_overlayer_lowered:
.L_overlay_start_2:
0x238: {  	(tag) =	ssettag $0x2  }
0x239: {  	s0 =	rddreg [dreg:$0x0];
	s2 =	stileid.u32  }
0x23a: {  	s1 =	rddreg [dreg:$0x1];
	p0 =	sne.s32 s2, $0x0  }
0x23b: {  	s3 =	rddreg [dreg:$0x2];
	[bflag:$0x3] =	sbarrier.arrive $0xFFFF;
	s2 =	simm.s32 @!p0 $0x1C07  }
0x23c: {  	[timem:s3], [sflag:s2] =	dma.local @!p0 [hbm:s0], s1  }
0x23d: {  	s0 =	simm.s32 @!p0 $0x7  }
0x23e: {  	_ =	swait.ge @!p0 [sflag:s0], s1  }
0x23f: {  	s1 =	ssub.s32 @!p0 $0x0, s1;
	[sflag:s0] =	ssyncset.done @!p0 $0x0  }
0x240: {  	[sflag:s0] =	ssyncadd.s32 @!p0 s1  }
0x241: {  	[bflag:$0x3] =	sbarrier.arrive $0xFFFF  }
0x242: {  	_ =	shalt  }

</sc_bundles>
